<compile_context>
chip_gen: v7x
topology: tpu7x:2x2x1
jax: 0.10.2.dev20260603
libtpu: 0.0.44.dev20260713+nightly
codegen_flags: <defaults>
</compile_context>

<pallas_src>
import functools

import jax
import jax.numpy as jnp
from jax import lax
from jax.experimental import pallas as pl
from jax.experimental.pallas import tpu as pltpu
from jax.experimental.pallas import tpu_sc as plsc

N = 512
HID = 128
OFF = N * (N - 1) // 2
ROWS_PER_STEP = 8
NSTEPS = N // ROWS_PER_STEP
F32 = jnp.float32



def _build_counts(edge_index):
    n_edges = edge_index.shape[1]
    per_worker = n_edges // 32

    @functools.partial(
        pl.kernel,
        out_type=jax.ShapeDtypeStruct((2, N * N), F32),
        mesh=plsc.VectorSubcoreMesh(core_axis_name="c", subcore_axis_name="s"),
        scratch_types=[
            pltpu.VMEM((per_worker,), jnp.int32),
            pltpu.VMEM((per_worker,), jnp.int32),
            pltpu.VMEM((per_worker,), jnp.int32),
            pltpu.VMEM((per_worker,), F32),
            pltpu.VMEM((2048,), F32),
            pltpu.VMEM_SHARED((N * N,), F32),
        ],
    )
    def k(ei_hbm, out_hbm, src_v, dst_v, idx_v, ones_v, zbuf, c_shared):
        cid = lax.axis_index("c")
        sid = lax.axis_index("s")
        wid = sid * 2 + cid
        base = wid * per_worker
        pltpu.sync_copy(ei_hbm.at[0, pl.ds(base, per_worker)], src_v)
        pltpu.sync_copy(ei_hbm.at[1, pl.ds(base, per_worker)], dst_v)

        @pl.loop(0, per_worker, step=16)
        def _(c):
            d = dst_v[pl.ds(c, 16)]
            s_ = src_v[pl.ds(c, 16)]
            idx_v[pl.ds(c, 16)] = d * N + s_
            ones_v[pl.ds(c, 16)] = jnp.full((16,), 1.0, F32)

        @pl.loop(0, 2048, step=16)
        def _(c):
            zbuf[pl.ds(c, 16)] = jnp.zeros((16,), F32)

        stripe = (N * N) // 16
        for kk in range(stripe // 2048):
            pltpu.sync_copy(zbuf, c_shared.at[pl.ds(sid * stripe + kk * 2048, 2048)])
        plsc.subcore_barrier()
        pltpu.sync_copy(ones_v, c_shared.at[idx_v], add=True)
        plsc.subcore_barrier()
        pltpu.sync_copy(c_shared.at[pl.ds(sid * stripe, stripe)],
                        out_hbm.at[cid, pl.ds(sid * stripe, stripe)])

    return k(edge_index)



SPAN = 4224
WIN = 640


def _row_start(i):
    off = 511 * i - (i * (i - 1)) // 2
    return off - i - 1


def _base_start(step):
    s0 = _row_start(step * ROWS_PER_STEP)
    return pl.multiple_of(jnp.clip((s0 // 128) * 128, 0, OFF - SPAN), 128)


def _tc_body(c2, x, eps, w1, b1, g1, bt1, w2, b2, g2, bt2, wmu, bmu, wlv, blv,
             ue1, ce1, un1, cn1, un2, cn2, nrn, ce2_hbm, ue2_hbm, adj_out,
             he_s, nl_s, ubuf, wbuf, cbuf, obuf, wsem, csem):
    t = pl.program_id(0)

    def mm(a, b_):
        return lax.dot_general(a, b_, (((1,), (1,)), ((), ())),
                               precision=lax.Precision.HIGHEST,
                               preferred_element_type=F32)

    def copies(step, slot):
        sb = _base_start(step)
        return [
            pltpu.make_async_copy(ue2_hbm.at[pl.ds(sb, SPAN)],
                                  wbuf.at[slot], wsem.at[slot]),
            pltpu.make_async_copy(ce2_hbm.at[pl.ds(sb, SPAN)],
                                  cbuf.at[slot], csem.at[slot]),
        ]

    def issue(step, slot):
        for c in copies(step, slot):
            c.start()

    def wait(step, slot):
        for c in copies(step, slot):
            c.wait()

    @pl.when(t == 0)
    def _prologue():
        issue(t, 0)
        issue(t + 1, 1)
        c = c2[0] + c2[1]
        ri = lax.broadcasted_iota(jnp.int32, (N, N), 0)
        ci = lax.broadcasted_iota(jnp.int32, (N, N), 1)
        c = c + jnp.where(ri == ci, 1.0, 0.0)
        deg = jnp.sum(c, axis=1, keepdims=True)
        dinv = lax.rsqrt(jnp.maximum(deg, 1e-12))

        def conv(h, w_, b_):
            hw = mm(h, w_) + b_
            agg = lax.dot_general(c, hw * dinv, (((1,), (0,)), ((), ())),
                                  precision=lax.Precision.HIGHEST,
                                  preferred_element_type=F32)
            return agg * dinv

        def bn(h, g_, bt_):
            mu = jnp.mean(h, axis=0, keepdims=True)
            var = jnp.mean((h - mu) ** 2, axis=0, keepdims=True)
            return (h - mu) * lax.rsqrt(var + 1e-5) * g_ + bt_

        h1 = jax.nn.relu(bn(conv(x[...], w1[...], b1[...]), g1[...], bt1[...]))
        h2 = jax.nn.relu(bn(conv(h1, w2[...], b2[...]), g2[...], bt2[...]))
        gv = jnp.sum(h2, axis=0, keepdims=True) / nrn[0, 0]
        mu_ = mm(gv, wmu[...]) + bmu[...]
        lv = jnp.clip(mm(gv, wlv[...]) + blv[...], -4.0, 4.0)
        z = mu_ + eps[...] * jnp.exp(0.5 * lv)
        he_s[...] = jax.nn.relu(mm(z, ue1[...]) + ce1[...])
        hn = jax.nn.relu(mm(z, un1[...]) + cn1[...])
        nl_s[...] = mm(hn, un2[...]) + cn2[...]

    @pl.when(t > 0)
    def _steady():
        @pl.when(t < NSTEPS - 1)
        def _():
            issue(t + 1, lax.rem(t + 1, 2))

    slot = lax.rem(t, 2)
    wait(t, slot)
    w = wbuf[slot]
    he = he_s[...]
    out = lax.dot_general(he, w, (((1,), (1,)), ((), ())),
                          precision=lax.Precision.HIGHEST,
                          preferred_element_type=F32)
    obuf[...] = out
    sb = _base_start(t)
    col = lax.broadcasted_iota(jnp.int32, (1, N), 1)
    for r in range(ROWS_PER_STEP):
        i = t * ROWS_PER_STEP + r
        d = _row_start(i) - sb
        a = pl.multiple_of(jnp.clip((d // 128) * 128, 0, SPAN - WIN), 128)
        b = d - a
        w640 = obuf[:, pl.ds(a, WIN)]
        c640 = jnp.reshape(cbuf[slot, pl.ds(a, WIN)], (1, WIN))
        rolled = pltpu.roll(w640 + c640, jnp.remainder(-b, WIN), axis=1)
        masked = jnp.where(col > i, rolled[:, :N], 0.0)
        ubuf[pl.ds(i, 1), :] = masked

    @pl.when(t == NSTEPS - 1)
    def _finalize():
        u = ubuf[...]
        ri = lax.broadcasted_iota(jnp.int32, (N, N), 0)
        ci = lax.broadcasted_iota(jnp.int32, (N, N), 1)
        d = jnp.where(ri == ci, nl_s[...], 0.0)
        adj_out[...] = u + u.T + d


def _tc_call(c2, x, eps, w1, b1, g1, bt1, w2, b2, g2, bt2, wmu, bmu, wlv, blv,
             ue1, ce1, un1, cn1, un2, cn2, nrn, ce2, ue2):
    full = lambda shape: pl.BlockSpec(shape, lambda t: tuple(0 for _ in shape))
    vmem_args = [c2, x, eps, w1, b1, g1, bt1, w2, b2, g2, bt2, wmu, bmu, wlv,
                 blv, ue1, ce1, un1, cn1, un2, cn2, nrn]
    in_specs = [full(a.shape) for a in vmem_args]
    in_specs += [pl.BlockSpec(memory_space=pl.ANY),
                 pl.BlockSpec(memory_space=pl.ANY)]
    return pl.pallas_call(
        _tc_body,
        grid=(NSTEPS,),
        in_specs=in_specs,
        out_specs=pl.BlockSpec((N, N), lambda t: (0, 0)),
        out_shape=jax.ShapeDtypeStruct((N, N), F32),
        scratch_shapes=[
            pltpu.VMEM((1, HID), F32),
            pltpu.VMEM((1, N), F32),
            pltpu.VMEM((N, N), F32),
            pltpu.VMEM((2, SPAN, HID), F32),
            pltpu.VMEM((2, SPAN), F32),
            pltpu.VMEM((1, SPAN), F32),
            pltpu.SemaphoreType.DMA((2,)),
            pltpu.SemaphoreType.DMA((2,)),
        ],
        compiler_params=pltpu.CompilerParams(
            dimension_semantics=("arbitrary",)),
    )(c2, x, eps, w1, b1, g1, bt1, w2, b2, g2, bt2, wmu, bmu, wlv, blv,
      ue1, ce1, un1, cn1, un2, cn2, nrn, ce2, ue2)


def kernel(x, edge_index, num_real_nodes, eps, W1, b1, g1, bt1, W2, b2, g2,
           bt2, Wmu, bmu, Wlv, blv, Ue1, ce1, Ue2, ce2, Un1, cn1, Un2, cn2):
    c2 = _build_counts(edge_index).reshape(2, N, N)
    nrn = jnp.asarray(num_real_nodes, F32).reshape(1, 1)
    return _tc_call(c2, x, eps, W1, b1, g1, bt1, W2, b2, g2, bt2, Wmu, bmu,
                    Wlv, blv, Ue1, ce1, Un1, cn1, Un2, cn2, nrn, ce2, Ue2)

# --- scband reference (transcript-rebuilt; emitter-appended) ---
"""Pipeline reference for scband-graph-vae-73409581023729 (READ-ONLY COPY).

The authoritative reference and input builder live on the scoring server;
editing this copy changes nothing except your own understanding.
"""

import jax, jax.numpy as jnp
import numpy as np

N_NODES = 512
IN_DIM = 128
HID = 128
ZDIM = 64
MAXN = 512
N_EDGES = 16384
OFF = MAXN * (MAXN - 1) // 2


def setup_inputs(seed: int = 0) -> dict:
    key = jax.random.key(seed)
    ks = jax.random.split(key, 16)
    s = 0.05
    inp = {}
    inp["x"] = jax.random.normal(ks[0], (N_NODES, IN_DIM), dtype=jnp.float32)
    inp["edge_index"] = jax.random.randint(ks[1], (2, N_EDGES), 0, N_NODES, dtype=jnp.int32)
    inp["num_real_nodes"] = N_NODES
    inp["eps"] = jax.random.normal(ks[2], (1, ZDIM), dtype=jnp.float32)
    inp["W1"] = jax.random.normal(ks[3], (HID, IN_DIM), dtype=jnp.float32) * s
    inp["b1"] = jnp.zeros((HID,), jnp.float32)
    inp["g1"] = jnp.ones((HID,), jnp.float32)
    inp["bt1"] = jnp.zeros((HID,), jnp.float32)
    inp["W2"] = jax.random.normal(ks[4], (HID, HID), dtype=jnp.float32) * s
    inp["b2"] = jnp.zeros((HID,), jnp.float32)
    inp["g2"] = jnp.ones((HID,), jnp.float32)
    inp["bt2"] = jnp.zeros((HID,), jnp.float32)
    inp["Wmu"] = jax.random.normal(ks[5], (ZDIM, HID), dtype=jnp.float32) * s
    inp["bmu"] = jnp.zeros((ZDIM,), jnp.float32)
    inp["Wlv"] = jax.random.normal(ks[6], (ZDIM, HID), dtype=jnp.float32) * s
    inp["blv"] = jnp.zeros((ZDIM,), jnp.float32)
    inp["Ue1"] = jax.random.normal(ks[7], (HID, ZDIM), dtype=jnp.float32) * s
    inp["ce1"] = jnp.zeros((HID,), jnp.float32)
    inp["Ue2"] = jax.random.normal(ks[8], (OFF, HID), dtype=jnp.float32) * s
    inp["ce2"] = jnp.zeros((OFF,), jnp.float32)
    inp["Un1"] = jax.random.normal(ks[9], (HID, ZDIM), dtype=jnp.float32) * s
    inp["cn1"] = jnp.zeros((HID,), jnp.float32)
    inp["Un2"] = jax.random.normal(ks[10], (MAXN, HID), dtype=jnp.float32) * s
    inp["cn2"] = jnp.zeros((MAXN,), jnp.float32)
    return inp


def _gcn_conv(x, edge_index, W, b):
    # GCNConv: linear transform, add self-loops, symmetric deg^-1/2 normalization, scatter-add
    N = x.shape[0]
    h = x @ W.T + b
    loop = jnp.arange(N, dtype=edge_index.dtype)
    src = jnp.concatenate([edge_index[0], loop])
    dst = jnp.concatenate([edge_index[1], loop])
    deg = jnp.zeros((N,), h.dtype).at[dst].add(1.0)
    dinv = jax.lax.rsqrt(jnp.maximum(deg, 1e-12))
    norm = dinv[src] * dinv[dst]
    msg = h[src] * norm[:, None]
    return jnp.zeros_like(h).at[dst].add(msg)


def _bn(h, g, bt, eps=1e-5):
    mu = h.mean(axis=0, keepdims=True)
    var = h.var(axis=0, keepdims=True)
    return (h - mu) / jnp.sqrt(var + eps) * g + bt


def reference(x, edge_index, num_real_nodes, eps, W1, b1, g1, bt1, W2, b2, g2, bt2, Wmu, bmu, Wlv, blv, Ue1, ce1, Ue2, ce2, Un1, cn1, Un2, cn2):
    h = jax.nn.relu(_bn(_gcn_conv(x, edge_index, W1, b1), g1, bt1))
    h = jax.nn.relu(_bn(_gcn_conv(h, edge_index, W2, b2), g2, bt2))
    # global_add_pool over a single graph (batch all zeros) divided by num_real_nodes
    gv = h.sum(axis=0, keepdims=True) / jnp.float32(num_real_nodes)
    mu = gv @ Wmu.T + bmu
    logvar = jnp.clip(gv @ Wlv.T + blv, -4.0, 4.0)
    z = mu + eps * jnp.exp(0.5 * logvar)  # reparameterization with externally supplied noise
    vec_logits = (jax.nn.relu(z @ Ue1.T + ce1) @ Ue2.T + ce2)[0]
    node_logits = (jax.nn.relu(z @ Un1.T + cn1) @ Un2.T + cn2)[0]
    # vec_to_adj: scatter upper-triangular vector into symmetric adjacency, diag <- node logits
    iu, ju = jnp.triu_indices(MAXN, k=1)
    adj = jnp.zeros((MAXN, MAXN), vec_logits.dtype).at[iu, ju].set(vec_logits)
    adj = adj + adj.T
    d = jnp.arange(MAXN)
    adj = adj.at[d, d].set(node_logits)
    return adj

if __name__ == "__main__":
    import jax
    _d = setup_inputs()
    print(jax.jit(kernel)(*tuple(_d.values())))

</pallas_src>

<mosaic_0001>
#map = affine_map<(d0, d1) -> (0, 0)>
module attributes {stable_mosaic.version = 14 : i64} {
  func.func @k(%arg0: i32, %arg1: i32, %arg2: memref<2x16384xi32, #tpu.memory_space<hbm>>, %arg3: memref<2x262144xf32, #tpu.memory_space<hbm>>, %arg4: memref<512xi32, #tpu.memory_space<vmem>>, %arg5: memref<512xi32, #tpu.memory_space<vmem>>, %arg6: memref<512xi32, #tpu.memory_space<vmem>>, %arg7: memref<512xf32, #tpu.memory_space<vmem>>, %arg8: memref<2048xf32, #tpu.memory_space<vmem>>, %arg9: memref<262144xf32, #tpu.memory_space<vmem_shared>>) attributes {dimension_semantics = [#tpu.dimension_semantics<core_parallel>, #tpu.dimension_semantics<subcore_parallel>], iteration_bounds = array<i64: 2, 16>, scalar_prefetch = 0 : i64, scratch_operands = 6 : i64, tpu.core_type = #tpu.core_type<sc_vector_subcore>, window_params = [{transform_indices = #map}, {transform_indices = #map}]} {
    %mul3A = arith.constant 2 : i32
    %mul3A_0 = arith.muli %arg1, %mul3A : i32
    %add3A = arith.addi %mul3A_0, %arg0 : i32
    %mul3A_1 = arith.constant 512 : i32
    %mul3A_2 = arith.muli %add3A, %mul3A_1 : i32
    %run_scoped3A = arith.constant 0 : i32
    "tpu.region"() ({
      %run_scoped3A_50 = tpu.sem_alloc : memref<!tpu.dma_semaphore, #tpu.memory_space<semaphore_mem>>
      %dma_start3A = tpu.memref_slice %arg2[%run_scoped3A, %mul3A_2] : memref<2x16384xi32, #tpu.memory_space<hbm>> -> memref<1x512xi32, #tpu.memory_space<hbm>>
      %dma_start3A_51 = tpu.memref_squeeze %dma_start3A : memref<1x512xi32, #tpu.memory_space<hbm>> -> memref<512xi32, #tpu.memory_space<hbm>>
      %dma_start3A_52 = tpu.memref_slice %arg2[%run_scoped3A, %mul3A_2] : memref<2x16384xi32, #tpu.memory_space<hbm>> -> memref<1x512xi32, #tpu.memory_space<hbm>>
      %dma_start3A_53 = tpu.memref_squeeze %dma_start3A_52 : memref<1x512xi32, #tpu.memory_space<hbm>> -> memref<512xi32, #tpu.memory_space<hbm>>
      tpu.enqueue_dma source(%dma_start3A_53 : memref<512xi32, #tpu.memory_space<hbm>>) target(%arg4 : memref<512xi32, #tpu.memory_space<vmem>>) target_semaphore(%run_scoped3A_50 : memref<!tpu.dma_semaphore, #tpu.memory_space<semaphore_mem>>)
      %dma_wait3A = tpu.memref_slice %arg2[%run_scoped3A, %mul3A_2] : memref<2x16384xi32, #tpu.memory_space<hbm>> -> memref<1x512xi32, #tpu.memory_space<hbm>>
      %dma_wait3A_54 = tpu.memref_squeeze %dma_wait3A : memref<1x512xi32, #tpu.memory_space<hbm>> -> memref<512xi32, #tpu.memory_space<hbm>>
      %dma_wait3A_55 = tpu.memref_slice %arg2[%run_scoped3A, %mul3A_2] : memref<2x16384xi32, #tpu.memory_space<hbm>> -> memref<1x512xi32, #tpu.memory_space<hbm>>
      %dma_wait3A_56 = tpu.memref_squeeze %dma_wait3A_55 : memref<1x512xi32, #tpu.memory_space<hbm>> -> memref<512xi32, #tpu.memory_space<hbm>>
      tpu.wait_dma2 semaphore(%run_scoped3A_50 : memref<!tpu.dma_semaphore, #tpu.memory_space<semaphore_mem>>) src(%dma_wait3A_56 : memref<512xi32, #tpu.memory_space<hbm>>) dst(%arg4 : memref<512xi32, #tpu.memory_space<vmem>>)
      tpu.yield
    }) : () -> ()
    %run_scoped3A_3 = arith.constant 1 : i32
    "tpu.region"() ({
      %run_scoped3A_50 = tpu.sem_alloc : memref<!tpu.dma_semaphore, #tpu.memory_space<semaphore_mem>>
      %dma_start3A = tpu.memref_slice %arg2[%run_scoped3A_3, %mul3A_2] : memref<2x16384xi32, #tpu.memory_space<hbm>> -> memref<1x512xi32, #tpu.memory_space<hbm>>
      %dma_start3A_51 = tpu.memref_squeeze %dma_start3A : memref<1x512xi32, #tpu.memory_space<hbm>> -> memref<512xi32, #tpu.memory_space<hbm>>
      %dma_start3A_52 = tpu.memref_slice %arg2[%run_scoped3A_3, %mul3A_2] : memref<2x16384xi32, #tpu.memory_space<hbm>> -> memref<1x512xi32, #tpu.memory_space<hbm>>
      %dma_start3A_53 = tpu.memref_squeeze %dma_start3A_52 : memref<1x512xi32, #tpu.memory_space<hbm>> -> memref<512xi32, #tpu.memory_space<hbm>>
      tpu.enqueue_dma source(%dma_start3A_53 : memref<512xi32, #tpu.memory_space<hbm>>) target(%arg5 : memref<512xi32, #tpu.memory_space<vmem>>) target_semaphore(%run_scoped3A_50 : memref<!tpu.dma_semaphore, #tpu.memory_space<semaphore_mem>>)
      %dma_wait3A = tpu.memref_slice %arg2[%run_scoped3A_3, %mul3A_2] : memref<2x16384xi32, #tpu.memory_space<hbm>> -> memref<1x512xi32, #tpu.memory_space<hbm>>
      %dma_wait3A_54 = tpu.memref_squeeze %dma_wait3A : memref<1x512xi32, #tpu.memory_space<hbm>> -> memref<512xi32, #tpu.memory_space<hbm>>
      %dma_wait3A_55 = tpu.memref_slice %arg2[%run_scoped3A_3, %mul3A_2] : memref<2x16384xi32, #tpu.memory_space<hbm>> -> memref<1x512xi32, #tpu.memory_space<hbm>>
      %dma_wait3A_56 = tpu.memref_squeeze %dma_wait3A_55 : memref<1x512xi32, #tpu.memory_space<hbm>> -> memref<512xi32, #tpu.memory_space<hbm>>
      tpu.wait_dma2 semaphore(%run_scoped3A_50 : memref<!tpu.dma_semaphore, #tpu.memory_space<semaphore_mem>>) src(%dma_wait3A_56 : memref<512xi32, #tpu.memory_space<hbm>>) dst(%arg5 : memref<512xi32, #tpu.memory_space<vmem>>)
      tpu.yield
    }) : () -> ()
    %scan3A = arith.constant 0 : i32
    %scan3A_4 = arith.constant 32 : i32
    %scan3A_5 = arith.addi %scan3A, %scan3A_4 : i32
    %scan3A_6 = arith.constant 1 : i32
    scf.for %scan3A_50 = %scan3A to %scan3A_5 step %scan3A_6  : i32 {
      %mul3A_51 = arith.constant 16 : i32
      %mul3A_52 = arith.muli %scan3A_50, %mul3A_51 : i32
      %add3A_53 = arith.constant 0 : i32
      %add3A_54 = arith.addi %add3A_53, %mul3A_52 : i32
      %get3A = arith.index_cast %add3A_54 : i32 to index
      %get3A_55 = tpu.vector_load %arg5[%get3A] {strides = array<i32>} : memref<512xi32, #tpu.memory_space<vmem>>, vector<16xi32>,
      %get3A_56 = vector.shape_cast %get3A_55 : vector<16xi32> to vector<16xi32>
      %get3A_57 = arith.index_cast %add3A_54 : i32 to index
      %get3A_58 = tpu.vector_load %arg4[%get3A_57] {strides = array<i32>} : memref<512xi32, #tpu.memory_space<vmem>>, vector<16xi32>,
      %get3A_59 = vector.shape_cast %get3A_58 : vector<16xi32> to vector<16xi32>
      %mul3A_60 = arith.constant 512 : i32
      %mul3A_61 = vector.broadcast %mul3A_60 : i32 to vector<16xi32>
      %mul3A_62 = arith.muli %get3A_56, %mul3A_61 : vector<16xi32>
      %add3A_63 = arith.addi %mul3A_62, %get3A_59 : vector<16xi32>
      %swap3A = arith.index_cast %add3A_54 : i32 to index
      %swap3A_64 = tpu.vector_load %arg6[%swap3A] {strides = array<i32>} : memref<512xi32, #tpu.memory_space<vmem>>, vector<16xi32>,
      %swap3A_65 = vector.shape_cast %swap3A_64 : vector<16xi32> to vector<16xi32>
      %swap3A_66 = vector.shape_cast %add3A_63 : vector<16xi32> to vector<16xi32>
      tpu.vector_store %arg6[%swap3A], %swap3A_66 {strides = array<i32>} : memref<512xi32, #tpu.memory_space<vmem>>, vector<16xi32>,
      %broadcast_in_dim3A = arith.constant 1.000000e+00 : f32
      %broadcast_in_dim3A_67 = vector.broadcast %broadcast_in_dim3A : f32 to vector<16xf32>
      %swap3A_68 = arith.index_cast %add3A_54 : i32 to index
      %swap3A_69 = tpu.vector_load %arg7[%swap3A_68] {strides = array<i32>} : memref<512xf32, #tpu.memory_space<vmem>>, vector<16xf32>,
      %swap3A_70 = vector.shape_cast %swap3A_69 : vector<16xf32> to vector<16xf32>
      %swap3A_71 = vector.shape_cast %broadcast_in_dim3A_67 : vector<16xf32> to vector<16xf32>
      tpu.vector_store %arg7[%swap3A_68], %swap3A_71 {strides = array<i32>} : memref<512xf32, #tpu.memory_space<vmem>>, vector<16xf32>,
    }
    %scan3A_7 = arith.constant 32 : i32
    %scan3A_8 = arith.constant 0 : i32
    %scan3A_9 = arith.constant 128 : i32
    %scan3A_10 = arith.addi %scan3A_8, %scan3A_9 : i32
    %scan3A_11 = arith.constant 1 : i32
    scf.for %scan3A_50 = %scan3A_8 to %scan3A_10 step %scan3A_11  : i32 {
      %mul3A_51 = arith.constant 16 : i32
      %mul3A_52 = arith.muli %scan3A_50, %mul3A_51 : i32
      %add3A_53 = arith.constant 0 : i32
      %add3A_54 = arith.addi %add3A_53, %mul3A_52 : i32
      %broadcast_in_dim3A = arith.constant 0.000000e+00 : f32
      %broadcast_in_dim3A_55 = vector.broadcast %broadcast_in_dim3A : f32 to vector<16xf32>
      %swap3A = arith.index_cast %add3A_54 : i32 to index
      %swap3A_56 = tpu.vector_load %arg8[%swap3A] {strides = array<i32>} : memref<2048xf32, #tpu.memory_space<vmem>>, vector<16xf32>,
      %swap3A_57 = vector.shape_cast %swap3A_56 : vector<16xf32> to vector<16xf32>
      %swap3A_58 = vector.shape_cast %broadcast_in_dim3A_55 : vector<16xf32> to vector<16xf32>
      tpu.vector_store %arg8[%swap3A], %swap3A_58 {strides = array<i32>} : memref<2048xf32, #tpu.memory_space<vmem>>, vector<16xf32>,
    }
    %scan3A_12 = arith.constant 128 : i32
    %mul3A_13 = arith.constant 16384 : i32
    %mul3A_14 = arith.muli %arg1, %mul3A_13 : i32
    %add3A_15 = arith.constant 0 : i32
    %add3A_16 = arith.addi %mul3A_14, %add3A_15 : i32
    "tpu.region"() ({
      %run_scoped3A_50 = tpu.sem_alloc : memref<!tpu.dma_semaphore, #tpu.memory_space<semaphore_mem>>
      %dma_start3A = tpu.memref_slice %arg9[%add3A_16] : memref<262144xf32, #tpu.memory_space<vmem_shared>> -> memref<2048xf32, #tpu.memory_space<vmem_shared>>
      %dma_start3A_51 = tpu.memref_slice %arg9[%add3A_16] : memref<262144xf32, #tpu.memory_space<vmem_shared>> -> memref<2048xf32, #tpu.memory_space<vmem_shared>>
      tpu.enqueue_dma source(%arg8 : memref<2048xf32, #tpu.memory_space<vmem>>) target(%dma_start3A_51 : memref<2048xf32, #tpu.memory_space<vmem_shared>>) target_semaphore(%run_scoped3A_50 : memref<!tpu.dma_semaphore, #tpu.memory_space<semaphore_mem>>)
      %dma_wait3A = tpu.memref_slice %arg9[%add3A_16] : memref<262144xf32, #tpu.memory_space<vmem_shared>> -> memref<2048xf32, #tpu.memory_space<vmem_shared>>
      %dma_wait3A_52 = tpu.memref_slice %arg9[%add3A_16] : memref<262144xf32, #tpu.memory_space<vmem_shared>> -> memref<2048xf32, #tpu.memory_space<vmem_shared>>
      tpu.wait_dma2 semaphore(%run_scoped3A_50 : memref<!tpu.dma_semaphore, #tpu.memory_space<semaphore_mem>>) src(%arg8 : memref<2048xf32, #tpu.memory_space<vmem>>) dst(%dma_wait3A_52 : memref<2048xf32, #tpu.memory_space<vmem_shared>>)
      tpu.yield
    }) : () -> ()
    %mul3A_17 = arith.constant 16384 : i32
    %mul3A_18 = arith.muli %arg1, %mul3A_17 : i32
    %add3A_19 = arith.constant 2048 : i32
    %add3A_20 = arith.addi %mul3A_18, %add3A_19 : i32
    "tpu.region"() ({
      %run_scoped3A_50 = tpu.sem_alloc : memref<!tpu.dma_semaphore, #tpu.memory_space<semaphore_mem>>
      %dma_start3A = tpu.memref_slice %arg9[%add3A_20] : memref<262144xf32, #tpu.memory_space<vmem_shared>> -> memref<2048xf32, #tpu.memory_space<vmem_shared>>
      %dma_start3A_51 = tpu.memref_slice %arg9[%add3A_20] : memref<262144xf32, #tpu.memory_space<vmem_shared>> -> memref<2048xf32, #tpu.memory_space<vmem_shared>>
      tpu.enqueue_dma source(%arg8 : memref<2048xf32, #tpu.memory_space<vmem>>) target(%dma_start3A_51 : memref<2048xf32, #tpu.memory_space<vmem_shared>>) target_semaphore(%run_scoped3A_50 : memref<!tpu.dma_semaphore, #tpu.memory_space<semaphore_mem>>)
      %dma_wait3A = tpu.memref_slice %arg9[%add3A_20] : memref<262144xf32, #tpu.memory_space<vmem_shared>> -> memref<2048xf32, #tpu.memory_space<vmem_shared>>
      %dma_wait3A_52 = tpu.memref_slice %arg9[%add3A_20] : memref<262144xf32, #tpu.memory_space<vmem_shared>> -> memref<2048xf32, #tpu.memory_space<vmem_shared>>
      tpu.wait_dma2 semaphore(%run_scoped3A_50 : memref<!tpu.dma_semaphore, #tpu.memory_space<semaphore_mem>>) src(%arg8 : memref<2048xf32, #tpu.memory_space<vmem>>) dst(%dma_wait3A_52 : memref<2048xf32, #tpu.memory_space<vmem_shared>>)
      tpu.yield
    }) : () -> ()
    %mul3A_21 = arith.constant 16384 : i32
    %mul3A_22 = arith.muli %arg1, %mul3A_21 : i32
    %add3A_23 = arith.constant 4096 : i32
    %add3A_24 = arith.addi %mul3A_22, %add3A_23 : i32
    "tpu.region"() ({
      %run_scoped3A_50 = tpu.sem_alloc : memref<!tpu.dma_semaphore, #tpu.memory_space<semaphore_mem>>
      %dma_start3A = tpu.memref_slice %arg9[%add3A_24] : memref<262144xf32, #tpu.memory_space<vmem_shared>> -> memref<2048xf32, #tpu.memory_space<vmem_shared>>
      %dma_start3A_51 = tpu.memref_slice %arg9[%add3A_24] : memref<262144xf32, #tpu.memory_space<vmem_shared>> -> memref<2048xf32, #tpu.memory_space<vmem_shared>>
      tpu.enqueue_dma source(%arg8 : memref<2048xf32, #tpu.memory_space<vmem>>) target(%dma_start3A_51 : memref<2048xf32, #tpu.memory_space<vmem_shared>>) target_semaphore(%run_scoped3A_50 : memref<!tpu.dma_semaphore, #tpu.memory_space<semaphore_mem>>)
      %dma_wait3A = tpu.memref_slice %arg9[%add3A_24] : memref<262144xf32, #tpu.memory_space<vmem_shared>> -> memref<2048xf32, #tpu.memory_space<vmem_shared>>
      %dma_wait3A_52 = tpu.memref_slice %arg9[%add3A_24] : memref<262144xf32, #tpu.memory_space<vmem_shared>> -> memref<2048xf32, #tpu.memory_space<vmem_shared>>
      tpu.wait_dma2 semaphore(%run_scoped3A_50 : memref<!tpu.dma_semaphore, #tpu.memory_space<semaphore_mem>>) src(%arg8 : memref<2048xf32, #tpu.memory_space<vmem>>) dst(%dma_wait3A_52 : memref<2048xf32, #tpu.memory_space<vmem_shared>>)
      tpu.yield
    }) : () -> ()
    %mul3A_25 = arith.constant 16384 : i32
    %mul3A_26 = arith.muli %arg1, %mul3A_25 : i32
    %add3A_27 = arith.constant 6144 : i32
    %add3A_28 = arith.addi %mul3A_26, %add3A_27 : i32
    "tpu.region"() ({
      %run_scoped3A_50 = tpu.sem_alloc : memref<!tpu.dma_semaphore, #tpu.memory_space<semaphore_mem>>
      %dma_start3A = tpu.memref_slice %arg9[%add3A_28] : memref<262144xf32, #tpu.memory_space<vmem_shared>> -> memref<2048xf32, #tpu.memory_space<vmem_shared>>
      %dma_start3A_51 = tpu.memref_slice %arg9[%add3A_28] : memref<262144xf32, #tpu.memory_space<vmem_shared>> -> memref<2048xf32, #tpu.memory_space<vmem_shared>>
      tpu.enqueue_dma source(%arg8 : memref<2048xf32, #tpu.memory_space<vmem>>) target(%dma_start3A_51 : memref<2048xf32, #tpu.memory_space<vmem_shared>>) target_semaphore(%run_scoped3A_50 : memref<!tpu.dma_semaphore, #tpu.memory_space<semaphore_mem>>)
      %dma_wait3A = tpu.memref_slice %arg9[%add3A_28] : memref<262144xf32, #tpu.memory_space<vmem_shared>> -> memref<2048xf32, #tpu.memory_space<vmem_shared>>
      %dma_wait3A_52 = tpu.memref_slice %arg9[%add3A_28] : memref<262144xf32, #tpu.memory_space<vmem_shared>> -> memref<2048xf32, #tpu.memory_space<vmem_shared>>
      tpu.wait_dma2 semaphore(%run_scoped3A_50 : memref<!tpu.dma_semaphore, #tpu.memory_space<semaphore_mem>>) src(%arg8 : memref<2048xf32, #tpu.memory_space<vmem>>) dst(%dma_wait3A_52 : memref<2048xf32, #tpu.memory_space<vmem_shared>>)
      tpu.yield
    }) : () -> ()
    %mul3A_29 = arith.constant 16384 : i32
    %mul3A_30 = arith.muli %arg1, %mul3A_29 : i32
    %add3A_31 = arith.constant 8192 : i32
    %add3A_32 = arith.addi %mul3A_30, %add3A_31 : i32
    "tpu.region"() ({
      %run_scoped3A_50 = tpu.sem_alloc : memref<!tpu.dma_semaphore, #tpu.memory_space<semaphore_mem>>
      %dma_start3A = tpu.memref_slice %arg9[%add3A_32] : memref<262144xf32, #tpu.memory_space<vmem_shared>> -> memref<2048xf32, #tpu.memory_space<vmem_shared>>
      %dma_start3A_51 = tpu.memref_slice %arg9[%add3A_32] : memref<262144xf32, #tpu.memory_space<vmem_shared>> -> memref<2048xf32, #tpu.memory_space<vmem_shared>>
      tpu.enqueue_dma source(%arg8 : memref<2048xf32, #tpu.memory_space<vmem>>) target(%dma_start3A_51 : memref<2048xf32, #tpu.memory_space<vmem_shared>>) target_semaphore(%run_scoped3A_50 : memref<!tpu.dma_semaphore, #tpu.memory_space<semaphore_mem>>)
      %dma_wait3A = tpu.memref_slice %arg9[%add3A_32] : memref<262144xf32, #tpu.memory_space<vmem_shared>> -> memref<2048xf32, #tpu.memory_space<vmem_shared>>
      %dma_wait3A_52 = tpu.memref_slice %arg9[%add3A_32] : memref<262144xf32, #tpu.memory_space<vmem_shared>> -> memref<2048xf32, #tpu.memory_space<vmem_shared>>
      tpu.wait_dma2 semaphore(%run_scoped3A_50 : memref<!tpu.dma_semaphore, #tpu.memory_space<semaphore_mem>>) src(%arg8 : memref<2048xf32, #tpu.memory_space<vmem>>) dst(%dma_wait3A_52 : memref<2048xf32, #tpu.memory_space<vmem_shared>>)
      tpu.yield
    }) : () -> ()
    %mul3A_33 = arith.constant 16384 : i32
    %mul3A_34 = arith.muli %arg1, %mul3A_33 : i32
    %add3A_35 = arith.constant 10240 : i32
    %add3A_36 = arith.addi %mul3A_34, %add3A_35 : i32
    "tpu.region"() ({
      %run_scoped3A_50 = tpu.sem_alloc : memref<!tpu.dma_semaphore, #tpu.memory_space<semaphore_mem>>
      %dma_start3A = tpu.memref_slice %arg9[%add3A_36] : memref<262144xf32, #tpu.memory_space<vmem_shared>> -> memref<2048xf32, #tpu.memory_space<vmem_shared>>
      %dma_start3A_51 = tpu.memref_slice %arg9[%add3A_36] : memref<262144xf32, #tpu.memory_space<vmem_shared>> -> memref<2048xf32, #tpu.memory_space<vmem_shared>>
      tpu.enqueue_dma source(%arg8 : memref<2048xf32, #tpu.memory_space<vmem>>) target(%dma_start3A_51 : memref<2048xf32, #tpu.memory_space<vmem_shared>>) target_semaphore(%run_scoped3A_50 : memref<!tpu.dma_semaphore, #tpu.memory_space<semaphore_mem>>)
      %dma_wait3A = tpu.memref_slice %arg9[%add3A_36] : memref<262144xf32, #tpu.memory_space<vmem_shared>> -> memref<2048xf32, #tpu.memory_space<vmem_shared>>
      %dma_wait3A_52 = tpu.memref_slice %arg9[%add3A_36] : memref<262144xf32, #tpu.memory_space<vmem_shared>> -> memref<2048xf32, #tpu.memory_space<vmem_shared>>
      tpu.wait_dma2 semaphore(%run_scoped3A_50 : memref<!tpu.dma_semaphore, #tpu.memory_space<semaphore_mem>>) src(%arg8 : memref<2048xf32, #tpu.memory_space<vmem>>) dst(%dma_wait3A_52 : memref<2048xf32, #tpu.memory_space<vmem_shared>>)
      tpu.yield
    }) : () -> ()
    %mul3A_37 = arith.constant 16384 : i32
    %mul3A_38 = arith.muli %arg1, %mul3A_37 : i32
    %add3A_39 = arith.constant 12288 : i32
    %add3A_40 = arith.addi %mul3A_38, %add3A_39 : i32
    "tpu.region"() ({
      %run_scoped3A_50 = tpu.sem_alloc : memref<!tpu.dma_semaphore, #tpu.memory_space<semaphore_mem>>
      %dma_start3A = tpu.memref_slice %arg9[%add3A_40] : memref<262144xf32, #tpu.memory_space<vmem_shared>> -> memref<2048xf32, #tpu.memory_space<vmem_shared>>
      %dma_start3A_51 = tpu.memref_slice %arg9[%add3A_40] : memref<262144xf32, #tpu.memory_space<vmem_shared>> -> memref<2048xf32, #tpu.memory_space<vmem_shared>>
      tpu.enqueue_dma source(%arg8 : memref<2048xf32, #tpu.memory_space<vmem>>) target(%dma_start3A_51 : memref<2048xf32, #tpu.memory_space<vmem_shared>>) target_semaphore(%run_scoped3A_50 : memref<!tpu.dma_semaphore, #tpu.memory_space<semaphore_mem>>)
      %dma_wait3A = tpu.memref_slice %arg9[%add3A_40] : memref<262144xf32, #tpu.memory_space<vmem_shared>> -> memref<2048xf32, #tpu.memory_space<vmem_shared>>
      %dma_wait3A_52 = tpu.memref_slice %arg9[%add3A_40] : memref<262144xf32, #tpu.memory_space<vmem_shared>> -> memref<2048xf32, #tpu.memory_space<vmem_shared>>
      tpu.wait_dma2 semaphore(%run_scoped3A_50 : memref<!tpu.dma_semaphore, #tpu.memory_space<semaphore_mem>>) src(%arg8 : memref<2048xf32, #tpu.memory_space<vmem>>) dst(%dma_wait3A_52 : memref<2048xf32, #tpu.memory_space<vmem_shared>>)
      tpu.yield
    }) : () -> ()
    %mul3A_41 = arith.constant 16384 : i32
    %mul3A_42 = arith.muli %arg1, %mul3A_41 : i32
    %add3A_43 = arith.constant 14336 : i32
    %add3A_44 = arith.addi %mul3A_42, %add3A_43 : i32
    "tpu.region"() ({
      %run_scoped3A_50 = tpu.sem_alloc : memref<!tpu.dma_semaphore, #tpu.memory_space<semaphore_mem>>
      %dma_start3A = tpu.memref_slice %arg9[%add3A_44] : memref<262144xf32, #tpu.memory_space<vmem_shared>> -> memref<2048xf32, #tpu.memory_space<vmem_shared>>
      %dma_start3A_51 = tpu.memref_slice %arg9[%add3A_44] : memref<262144xf32, #tpu.memory_space<vmem_shared>> -> memref<2048xf32, #tpu.memory_space<vmem_shared>>
      tpu.enqueue_dma source(%arg8 : memref<2048xf32, #tpu.memory_space<vmem>>) target(%dma_start3A_51 : memref<2048xf32, #tpu.memory_space<vmem_shared>>) target_semaphore(%run_scoped3A_50 : memref<!tpu.dma_semaphore, #tpu.memory_space<semaphore_mem>>)
      %dma_wait3A = tpu.memref_slice %arg9[%add3A_44] : memref<262144xf32, #tpu.memory_space<vmem_shared>> -> memref<2048xf32, #tpu.memory_space<vmem_shared>>
      %dma_wait3A_52 = tpu.memref_slice %arg9[%add3A_44] : memref<262144xf32, #tpu.memory_space<vmem_shared>> -> memref<2048xf32, #tpu.memory_space<vmem_shared>>
      tpu.wait_dma2 semaphore(%run_scoped3A_50 : memref<!tpu.dma_semaphore, #tpu.memory_space<semaphore_mem>>) src(%arg8 : memref<2048xf32, #tpu.memory_space<vmem>>) dst(%dma_wait3A_52 : memref<2048xf32, #tpu.memory_space<vmem_shared>>)
      tpu.yield
    }) : () -> ()
    %barrier3A = arith.constant 0 : index
    tpu.barrier barrier_id(%barrier3A)
    "tpu.region"() ({
      %run_scoped3A_50 = tpu.sem_alloc : memref<!tpu.dma_semaphore, #tpu.memory_space<semaphore_mem>>
      %dma_start3A = arith.constant 0 : i32
      %dma_start3A_51 = tpu.memref_slice %arg9[%dma_start3A] : memref<262144xf32, #tpu.memory_space<vmem_shared>> -> memref<262144xf32, #tpu.memory_space<vmem_shared>>
      tpu.enqueue_indirect_dma source(%arg7 : memref<512xf32, #tpu.memory_space<vmem>>) target(%dma_start3A_51 : memref<262144xf32, #tpu.memory_space<vmem_shared>>) offsets(%arg6 : memref<512xi32, #tpu.memory_space<vmem>>) semaphore(%run_scoped3A_50 : memref<!tpu.dma_semaphore, #tpu.memory_space<semaphore_mem>>) {add = true}
      %dma_wait3A = arith.constant 0 : i32
      %dma_wait3A_52 = tpu.memref_slice %arg9[%dma_wait3A] : memref<262144xf32, #tpu.memory_space<vmem_shared>> -> memref<262144xf32, #tpu.memory_space<vmem_shared>>
      tpu.wait_indirect_dma semaphore(%run_scoped3A_50 : memref<!tpu.dma_semaphore, #tpu.memory_space<semaphore_mem>>) src(%arg7 : memref<512xf32, #tpu.memory_space<vmem>>) dst(%dma_wait3A_52 : memref<262144xf32, #tpu.memory_space<vmem_shared>>)
      tpu.yield
    }) : () -> ()
    %barrier3A_45 = arith.constant 0 : index
    tpu.barrier barrier_id(%barrier3A_45)
    %mul3A_46 = arith.constant 16384 : i32
    %mul3A_47 = arith.muli %arg1, %mul3A_46 : i32
    %mul3A_48 = arith.constant 16384 : i32
    %mul3A_49 = arith.muli %arg1, %mul3A_48 : i32
    "tpu.region"() ({
      %run_scoped3A_50 = tpu.sem_alloc : memref<!tpu.dma_semaphore, #tpu.memory_space<semaphore_mem>>
      %dma_start3A = tpu.memref_slice %arg3[%arg0, %mul3A_49] : memref<2x262144xf32, #tpu.memory_space<hbm>> -> memref<1x16384xf32, #tpu.memory_space<hbm>>
      %dma_start3A_51 = tpu.memref_squeeze %dma_start3A : memref<1x16384xf32, #tpu.memory_space<hbm>> -> memref<16384xf32, #tpu.memory_space<hbm>>
      %dma_start3A_52 = tpu.memref_slice %arg9[%mul3A_47] : memref<262144xf32, #tpu.memory_space<vmem_shared>> -> memref<16384xf32, #tpu.memory_space<vmem_shared>>
      tpu.enqueue_dma source(%dma_start3A_52 : memref<16384xf32, #tpu.memory_space<vmem_shared>>) target(%dma_start3A_51 : memref<16384xf32, #tpu.memory_space<hbm>>) target_semaphore(%run_scoped3A_50 : memref<!tpu.dma_semaphore, #tpu.memory_space<semaphore_mem>>)
      %dma_wait3A = tpu.memref_slice %arg3[%arg0, %mul3A_49] : memref<2x262144xf32, #tpu.memory_space<hbm>> -> memref<1x16384xf32, #tpu.memory_space<hbm>>
      %dma_wait3A_53 = tpu.memref_squeeze %dma_wait3A : memref<1x16384xf32, #tpu.memory_space<hbm>> -> memref<16384xf32, #tpu.memory_space<hbm>>
      %dma_wait3A_54 = tpu.memref_slice %arg9[%mul3A_47] : memref<262144xf32, #tpu.memory_space<vmem_shared>> -> memref<16384xf32, #tpu.memory_space<vmem_shared>>
      tpu.wait_dma2 semaphore(%run_scoped3A_50 : memref<!tpu.dma_semaphore, #tpu.memory_space<semaphore_mem>>) src(%dma_wait3A_54 : memref<16384xf32, #tpu.memory_space<vmem_shared>>) dst(%dma_wait3A_53 : memref<16384xf32, #tpu.memory_space<hbm>>)
      tpu.yield
    }) : () -> ()
    return
  }
}

module attributes {stable_mosaic.version = 14 : i64} {
  func.func @_tc_body(%arg0: i32, %arg1: memref<2x512x512xf32, #tpu.memory_space<vmem>>, %arg2: memref<512x128xf32, #tpu.memory_space<vmem>>, %arg3: memref<1x64xf32, #tpu.memory_space<vmem>>, %arg4: memref<128x128xf32, #tpu.memory_space<vmem>>, %arg5: memref<128xf32, #tpu.memory_space<vmem>>, %arg6: memref<128xf32, #tpu.memory_space<vmem>>, %arg7: memref<128xf32, #tpu.memory_space<vmem>>, %arg8: memref<128x128xf32, #tpu.memory_space<vmem>>, %arg9: memref<128xf32, #tpu.memory_space<vmem>>, %arg10: memref<128xf32, #tpu.memory_space<vmem>>, %arg11: memref<128xf32, #tpu.memory_space<vmem>>, %arg12: memref<64x128xf32, #tpu.memory_space<vmem>>, %arg13: memref<64xf32, #tpu.memory_space<vmem>>, %arg14: memref<64x128xf32, #tpu.memory_space<vmem>>, %arg15: memref<64xf32, #tpu.memory_space<vmem>>, %arg16: memref<128x64xf32, #tpu.memory_space<vmem>>, %arg17: memref<128xf32, #tpu.memory_space<vmem>>, %arg18: memref<128x64xf32, #tpu.memory_space<vmem>>, %arg19: memref<128xf32, #tpu.memory_space<vmem>>, %arg20: memref<512x128xf32, #tpu.memory_space<vmem>>, %arg21: memref<512xf32, #tpu.memory_space<vmem>>, %arg22: memref<1x1xf32, #tpu.memory_space<vmem>>, %arg23: memref<130816xf32, #tpu.memory_space<any>>, %arg24: memref<130816x128xf32, #tpu.memory_space<any>>, %arg25: memref<512x512xf32, #tpu.memory_space<vmem>>, %arg26: memref<1x128xf32, #tpu.memory_space<vmem>>, %arg27: memref<1x512xf32, #tpu.memory_space<vmem>>, %arg28: memref<512x512xf32, #tpu.memory_space<vmem>>, %arg29: memref<2x4224x128xf32, #tpu.memory_space<vmem>>, %arg30: memref<2x4224xf32, #tpu.memory_space<vmem>>, %arg31: memref<1x4224xf32, #tpu.memory_space<vmem>>, %arg32: memref<2x!tpu.dma_semaphore, #tpu.memory_space<semaphore_mem>>, %arg33: memref<2x!tpu.dma_semaphore, #tpu.memory_space<semaphore_mem>>) attributes {dimension_semantics = [#tpu.dimension_semantics<arbitrary>], iteration_bounds = array<i64: 64>, scalar_prefetch = 0 : i64, scratch_operands = 8 : i64, tpu.core_type = #tpu.core_type<tc>, window_params = [{pipeline_mode = #tpu.pipeline_mode<synchronous>, transform_indices = @transform_0, window_bounds = array<i64: 2, 512, 512>}, {pipeline_mode = #tpu.pipeline_mode<synchronous>, transform_indices = @transform_1, window_bounds = array<i64: 512, 128>}, {pipeline_mode = #tpu.pipeline_mode<synchronous>, transform_indices = @transform_2, window_bounds = array<i64: 1, 64>}, {pipeline_mode = #tpu.pipeline_mode<synchronous>, transform_indices = @transform_3, window_bounds = array<i64: 128, 128>}, {pipeline_mode = #tpu.pipeline_mode<synchronous>, transform_indices = @transform_4, window_bounds = array<i64: 128>}, {pipeline_mode = #tpu.pipeline_mode<synchronous>, transform_indices = @transform_5, window_bounds = array<i64: 128>}, {pipeline_mode = #tpu.pipeline_mode<synchronous>, transform_indices = @transform_6, window_bounds = array<i64: 128>}, {pipeline_mode = #tpu.pipeline_mode<synchronous>, transform_indices = @transform_7, window_bounds = array<i64: 128, 128>}, {pipeline_mode = #tpu.pipeline_mode<synchronous>, transform_indices = @transform_8, window_bounds = array<i64: 128>}, {pipeline_mode = #tpu.pipeline_mode<synchronous>, transform_indices = @transform_9, window_bounds = array<i64: 128>}, {pipeline_mode = #tpu.pipeline_mode<synchronous>, transform_indices = @transform_10, window_bounds = array<i64: 128>}, {pipeline_mode = #tpu.pipeline_mode<synchronous>, transform_indices = @transform_11, window_bounds = array<i64: 64, 128>}, {pipeline_mode = #tpu.pipeline_mode<synchronous>, transform_indices = @transform_12, window_bounds = array<i64: 64>}, {pipeline_mode = #tpu.pipeline_mode<synchronous>, transform_indices = @transform_13, window_bounds = array<i64: 64, 128>}, {pipeline_mode = #tpu.pipeline_mode<synchronous>, transform_indices = @transform_14, window_bounds = array<i64: 64>}, {pipeline_mode = #tpu.pipeline_mode<synchronous>, transform_indices = @transform_15, window_bounds = array<i64: 128, 64>}, {pipeline_mode = #tpu.pipeline_mode<synchronous>, transform_indices = @transform_16, window_bounds = array<i64: 128>}, {pipeline_mode = #tpu.pipeline_mode<synchronous>, transform_indices = @transform_17, window_bounds = array<i64: 128, 64>}, {pipeline_mode = #tpu.pipeline_mode<synchronous>, transform_indices = @transform_18, window_bounds = array<i64: 128>}, {pipeline_mode = #tpu.pipeline_mode<synchronous>, transform_indices = @transform_19, window_bounds = array<i64: 512, 128>}, {pipeline_mode = #tpu.pipeline_mode<synchronous>, transform_indices = @transform_20, window_bounds = array<i64: 512>}, {pipeline_mode = #tpu.pipeline_mode<synchronous>, transform_indices = @transform_21, window_bounds = array<i64: 1, 1>}, {}, {}, {pipeline_mode = #tpu.pipeline_mode<synchronous>, transform_indices = @transform_24, window_bounds = array<i64: 512, 512>}]} {
    %eq3A = arith.constant 0 : i32
    %eq3A_0 = arith.cmpi eq, %arg0, %eq3A : i32
    %convert_element_type3A = arith.extui %eq3A_0 : i1 to i32
    %cond3A = arith.constant 0 : i32
    %cond3A_1 = arith.cmpi ne, %convert_element_type3A, %cond3A : i32
    scf.if %cond3A_1 {
      %mul3A_1005 = arith.constant 8 : i32
      %mul3A_1006 = arith.muli %arg0, %mul3A_1005 : i32
      %mul3A_1007 = arith.constant 511 : i32
      %mul3A_1008 = arith.muli %mul3A_1007, %mul3A_1006 : i32
      %sub3A_1009 = arith.constant 1 : i32
      %sub3A_1010 = arith.subi %mul3A_1006, %sub3A_1009 : i32
      %mul3A_1011 = arith.muli %mul3A_1006, %sub3A_1010 : i32
      %jit3A_1012 = arith.constant 2 : i32
      %div3A_1013 = arith.divsi %mul3A_1011, %jit3A_1012 : i32
      %sign3A_1014 = arith.constant 0 : i32
      %sign3A_1015 = arith.cmpi sgt, %mul3A_1011, %sign3A_1014 : i32
      %sign3A_1016 = arith.extui %sign3A_1015 : i1 to i32
      %sign3A_1017 = arith.constant 0 : i32
      %sign3A_1018 = arith.cmpi slt, %mul3A_1011, %sign3A_1017 : i32
      %sign3A_1019 = arith.extui %sign3A_1018 : i1 to i32
      %sign3A_1020 = arith.subi %sign3A_1016, %sign3A_1019 : i32
      %sign3A_1021 = arith.constant 0 : i32
      %sign3A_1022 = arith.cmpi sgt, %jit3A_1012, %sign3A_1021 : i32
      %sign3A_1023 = arith.extui %sign3A_1022 : i1 to i32
      %sign3A_1024 = arith.constant 0 : i32
      %sign3A_1025 = arith.cmpi slt, %jit3A_1012, %sign3A_1024 : i32
      %sign3A_1026 = arith.extui %sign3A_1025 : i1 to i32
      %sign3A_1027 = arith.subi %sign3A_1023, %sign3A_1026 : i32
      %ne3A_1028 = arith.cmpi ne, %sign3A_1020, %sign3A_1027 : i32
      %rem3A_1029 = arith.remsi %mul3A_1011, %jit3A_1012 : i32
      %ne3A_1030 = arith.constant 0 : i32
      %ne3A_1031 = arith.cmpi ne, %rem3A_1029, %ne3A_1030 : i32
      %and3A_1032 = arith.andi %ne3A_1028, %ne3A_1031 : i1
      %sub3A_1033 = arith.constant 1 : i32
      %sub3A_1034 = arith.subi %div3A_1013, %sub3A_1033 : i32
      %select_n3A_1035 = arith.select %and3A_1032, %sub3A_1034, %div3A_1013 : i32
      %sub3A_1036 = arith.subi %mul3A_1008, %select_n3A_1035 : i32
      %sub3A_1037 = arith.subi %sub3A_1036, %mul3A_1006 : i32
      %sub3A_1038 = arith.constant 1 : i32
      %sub3A_1039 = arith.subi %sub3A_1037, %sub3A_1038 : i32
      %jit3A_1040 = arith.constant 128 : i32
      %div3A_1041 = arith.divsi %sub3A_1039, %jit3A_1040 : i32
      %sign3A_1042 = arith.constant 0 : i32
      %sign3A_1043 = arith.cmpi sgt, %sub3A_1039, %sign3A_1042 : i32
      %sign3A_1044 = arith.extui %sign3A_1043 : i1 to i32
      %sign3A_1045 = arith.constant 0 : i32
      %sign3A_1046 = arith.cmpi slt, %sub3A_1039, %sign3A_1045 : i32
      %sign3A_1047 = arith.extui %sign3A_1046 : i1 to i32
      %sign3A_1048 = arith.subi %sign3A_1044, %sign3A_1047 : i32
      %sign3A_1049 = arith.constant 0 : i32
      %sign3A_1050 = arith.cmpi sgt, %jit3A_1040, %sign3A_1049 : i32
      %sign3A_1051 = arith.extui %sign3A_1050 : i1 to i32
      %sign3A_1052 = arith.constant 0 : i32
      %sign3A_1053 = arith.cmpi slt, %jit3A_1040, %sign3A_1052 : i32
      %sign3A_1054 = arith.extui %sign3A_1053 : i1 to i32
      %sign3A_1055 = arith.subi %sign3A_1051, %sign3A_1054 : i32
      %ne3A_1056 = arith.cmpi ne, %sign3A_1048, %sign3A_1055 : i32
      %rem3A_1057 = arith.remsi %sub3A_1039, %jit3A_1040 : i32
      %ne3A_1058 = arith.constant 0 : i32
      %ne3A_1059 = arith.cmpi ne, %rem3A_1057, %ne3A_1058 : i32
      %and3A_1060 = arith.andi %ne3A_1056, %ne3A_1059 : i1
      %sub3A_1061 = arith.constant 1 : i32
      %sub3A_1062 = arith.subi %div3A_1041, %sub3A_1061 : i32
      %select_n3A_1063 = arith.select %and3A_1060, %sub3A_1062, %div3A_1041 : i32
      %mul3A_1064 = arith.constant 128 : i32
      %mul3A_1065 = arith.muli %select_n3A_1063, %mul3A_1064 : i32
      %jit3A_1066 = arith.constant 0 : i32
      %jit3A_1067 = arith.constant 126592 : i32
      %max3A_1068 = arith.maxsi %jit3A_1066, %mul3A_1065 : i32
      %min3A_1069 = arith.minsi %jit3A_1067, %max3A_1068 : i32
      %multiple_of3A_1070 = tpu.assume_multiple %min3A_1069, 128 : i32
      %dma_start3A = arith.constant 0 : i32
      %dma_start3A_1071 = arith.constant 0 : i32
      %dma_start3A_1072 = tpu.memref_slice %arg32[%dma_start3A_1071] : memref<2x!tpu.dma_semaphore, #tpu.memory_space<semaphore_mem>> -> memref<1x!tpu.dma_semaphore, #tpu.memory_space<semaphore_mem>>
      %dma_start3A_1073 = tpu.memref_squeeze %dma_start3A_1072 : memref<1x!tpu.dma_semaphore, #tpu.memory_space<semaphore_mem>> -> memref<!tpu.dma_semaphore, #tpu.memory_space<semaphore_mem>>
      %dma_start3A_1074 = arith.constant 0 : i32
      %dma_start3A_1075 = arith.constant 0 : i32
      %dma_start3A_1076 = tpu.memref_slice %arg29[%dma_start3A, %dma_start3A_1074, %dma_start3A_1075] : memref<2x4224x128xf32, #tpu.memory_space<vmem>> -> memref<1x4224x128xf32, #tpu.memory_space<vmem>>
      %dma_start3A_1077 = tpu.memref_squeeze %dma_start3A_1076 : memref<1x4224x128xf32, #tpu.memory_space<vmem>> -> memref<4224x128xf32, #tpu.memory_space<vmem>>
      %dma_start3A_1078 = arith.constant 0 : i32
      %dma_start3A_1079 = tpu.memref_slice %arg24[%multiple_of3A_1070, %dma_start3A_1078] : memref<130816x128xf32, #tpu.memory_space<any>> -> memref<4224x128xf32, #tpu.memory_space<any>>
      tpu.enqueue_dma source(%dma_start3A_1079 : memref<4224x128xf32, #tpu.memory_space<any>>) target(%dma_start3A_1077 : memref<4224x128xf32, #tpu.memory_space<vmem>>) target_semaphore(%dma_start3A_1073 : memref<!tpu.dma_semaphore, #tpu.memory_space<semaphore_mem>>)
      %dma_start3A_1080 = arith.constant 0 : i32
      %dma_start3A_1081 = arith.constant 0 : i32
      %dma_start3A_1082 = tpu.memref_slice %arg33[%dma_start3A_1081] : memref<2x!tpu.dma_semaphore, #tpu.memory_space<semaphore_mem>> -> memref<1x!tpu.dma_semaphore, #tpu.memory_space<semaphore_mem>>
      %dma_start3A_1083 = tpu.memref_squeeze %dma_start3A_1082 : memref<1x!tpu.dma_semaphore, #tpu.memory_space<semaphore_mem>> -> memref<!tpu.dma_semaphore, #tpu.memory_space<semaphore_mem>>
      %dma_start3A_1084 = arith.constant 0 : i32
      %dma_start3A_1085 = tpu.memref_slice %arg30[%dma_start3A_1080, %dma_start3A_1084] : memref<2x4224xf32, #tpu.memory_space<vmem>> -> memref<1x4224xf32, #tpu.memory_space<vmem>>
      %dma_start3A_1086 = tpu.memref_squeeze %dma_start3A_1085 : memref<1x4224xf32, #tpu.memory_space<vmem>> -> memref<4224xf32, #tpu.memory_space<vmem>>
      %dma_start3A_1087 = tpu.memref_slice %arg23[%multiple_of3A_1070] : memref<130816xf32, #tpu.memory_space<any>> -> memref<4224xf32, #tpu.memory_space<any>>
      tpu.enqueue_dma source(%dma_start3A_1087 : memref<4224xf32, #tpu.memory_space<any>>) target(%dma_start3A_1086 : memref<4224xf32, #tpu.memory_space<vmem>>) target_semaphore(%dma_start3A_1083 : memref<!tpu.dma_semaphore, #tpu.memory_space<semaphore_mem>>)
      %add3A_1088 = arith.constant 1 : i32
      %add3A_1089 = arith.addi %arg0, %add3A_1088 : i32
      %mul3A_1090 = arith.constant 8 : i32
      %mul3A_1091 = arith.muli %add3A_1089, %mul3A_1090 : i32
      %mul3A_1092 = arith.constant 511 : i32
      %mul3A_1093 = arith.muli %mul3A_1092, %mul3A_1091 : i32
      %sub3A_1094 = arith.constant 1 : i32
      %sub3A_1095 = arith.subi %mul3A_1091, %sub3A_1094 : i32
      %mul3A_1096 = arith.muli %mul3A_1091, %sub3A_1095 : i32
      %jit3A_1097 = arith.constant 2 : i32
      %div3A_1098 = arith.divsi %mul3A_1096, %jit3A_1097 : i32
      %sign3A_1099 = arith.constant 0 : i32
      %sign3A_1100 = arith.cmpi sgt, %mul3A_1096, %sign3A_1099 : i32
      %sign3A_1101 = arith.extui %sign3A_1100 : i1 to i32
      %sign3A_1102 = arith.constant 0 : i32
      %sign3A_1103 = arith.cmpi slt, %mul3A_1096, %sign3A_1102 : i32
      %sign3A_1104 = arith.extui %sign3A_1103 : i1 to i32
      %sign3A_1105 = arith.subi %sign3A_1101, %sign3A_1104 : i32
      %sign3A_1106 = arith.constant 0 : i32
      %sign3A_1107 = arith.cmpi sgt, %jit3A_1097, %sign3A_1106 : i32
      %sign3A_1108 = arith.extui %sign3A_1107 : i1 to i32
      %sign3A_1109 = arith.constant 0 : i32
      %sign3A_1110 = arith.cmpi slt, %jit3A_1097, %sign3A_1109 : i32
      %sign3A_1111 = arith.extui %sign3A_1110 : i1 to i32
      %sign3A_1112 = arith.subi %sign3A_1108, %sign3A_1111 : i32
      %ne3A_1113 = arith.cmpi ne, %sign3A_1105, %sign3A_1112 : i32
      %rem3A_1114 = arith.remsi %mul3A_1096, %jit3A_1097 : i32
      %ne3A_1115 = arith.constant 0 : i32
      %ne3A_1116 = arith.cmpi ne, %rem3A_1114, %ne3A_1115 : i32
      %and3A_1117 = arith.andi %ne3A_1113, %ne3A_1116 : i1
      %sub3A_1118 = arith.constant 1 : i32
      %sub3A_1119 = arith.subi %div3A_1098, %sub3A_1118 : i32
      %select_n3A_1120 = arith.select %and3A_1117, %sub3A_1119, %div3A_1098 : i32
      %sub3A_1121 = arith.subi %mul3A_1093, %select_n3A_1120 : i32
      %sub3A_1122 = arith.subi %sub3A_1121, %mul3A_1091 : i32
      %sub3A_1123 = arith.constant 1 : i32
      %sub3A_1124 = arith.subi %sub3A_1122, %sub3A_1123 : i32
      %jit3A_1125 = arith.constant 128 : i32
      %div3A_1126 = arith.divsi %sub3A_1124, %jit3A_1125 : i32
      %sign3A_1127 = arith.constant 0 : i32
      %sign3A_1128 = arith.cmpi sgt, %sub3A_1124, %sign3A_1127 : i32
      %sign3A_1129 = arith.extui %sign3A_1128 : i1 to i32
      %sign3A_1130 = arith.constant 0 : i32
      %sign3A_1131 = arith.cmpi slt, %sub3A_1124, %sign3A_1130 : i32
      %sign3A_1132 = arith.extui %sign3A_1131 : i1 to i32
      %sign3A_1133 = arith.subi %sign3A_1129, %sign3A_1132 : i32
      %sign3A_1134 = arith.constant 0 : i32
      %sign3A_1135 = arith.cmpi sgt, %jit3A_1125, %sign3A_1134 : i32
      %sign3A_1136 = arith.extui %sign3A_1135 : i1 to i32
      %sign3A_1137 = arith.constant 0 : i32
      %sign3A_1138 = arith.cmpi slt, %jit3A_1125, %sign3A_1137 : i32
      %sign3A_1139 = arith.extui %sign3A_1138 : i1 to i32
      %sign3A_1140 = arith.subi %sign3A_1136, %sign3A_1139 : i32
      %ne3A_1141 = arith.cmpi ne, %sign3A_1133, %sign3A_1140 : i32
      %rem3A_1142 = arith.remsi %sub3A_1124, %jit3A_1125 : i32
      %ne3A_1143 = arith.constant 0 : i32
      %ne3A_1144 = arith.cmpi ne, %rem3A_1142, %ne3A_1143 : i32
      %and3A_1145 = arith.andi %ne3A_1141, %ne3A_1144 : i1
      %sub3A_1146 = arith.constant 1 : i32
      %sub3A_1147 = arith.subi %div3A_1126, %sub3A_1146 : i32
      %select_n3A_1148 = arith.select %and3A_1145, %sub3A_1147, %div3A_1126 : i32
      %mul3A_1149 = arith.constant 128 : i32
      %mul3A_1150 = arith.muli %select_n3A_1148, %mul3A_1149 : i32
      %jit3A_1151 = arith.constant 0 : i32
      %jit3A_1152 = arith.constant 126592 : i32
      %max3A_1153 = arith.maxsi %jit3A_1151, %mul3A_1150 : i32
      %min3A_1154 = arith.minsi %jit3A_1152, %max3A_1153 : i32
      %multiple_of3A_1155 = tpu.assume_multiple %min3A_1154, 128 : i32
      %dma_start3A_1156 = arith.constant 1 : i32
      %dma_start3A_1157 = arith.constant 1 : i32
      %dma_start3A_1158 = tpu.memref_slice %arg32[%dma_start3A_1157] : memref<2x!tpu.dma_semaphore, #tpu.memory_space<semaphore_mem>> -> memref<1x!tpu.dma_semaphore, #tpu.memory_space<semaphore_mem>>
      %dma_start3A_1159 = tpu.memref_squeeze %dma_start3A_1158 : memref<1x!tpu.dma_semaphore, #tpu.memory_space<semaphore_mem>> -> memref<!tpu.dma_semaphore, #tpu.memory_space<semaphore_mem>>
      %dma_start3A_1160 = arith.constant 0 : i32
      %dma_start3A_1161 = arith.constant 0 : i32
      %dma_start3A_1162 = tpu.memref_slice %arg29[%dma_start3A_1156, %dma_start3A_1160, %dma_start3A_1161] : memref<2x4224x128xf32, #tpu.memory_space<vmem>> -> memref<1x4224x128xf32, #tpu.memory_space<vmem>>
      %dma_start3A_1163 = tpu.memref_squeeze %dma_start3A_1162 : memref<1x4224x128xf32, #tpu.memory_space<vmem>> -> memref<4224x128xf32, #tpu.memory_space<vmem>>
      %dma_start3A_1164 = arith.constant 0 : i32
      %dma_start3A_1165 = tpu.memref_slice %arg24[%multiple_of3A_1155, %dma_start3A_1164] : memref<130816x128xf32, #tpu.memory_space<any>> -> memref<4224x128xf32, #tpu.memory_space<any>>
      tpu.enqueue_dma source(%dma_start3A_1165 : memref<4224x128xf32, #tpu.memory_space<any>>) target(%dma_start3A_1163 : memref<4224x128xf32, #tpu.memory_space<vmem>>) target_semaphore(%dma_start3A_1159 : memref<!tpu.dma_semaphore, #tpu.memory_space<semaphore_mem>>)
      %dma_start3A_1166 = arith.constant 1 : i32
      %dma_start3A_1167 = arith.constant 1 : i32
      %dma_start3A_1168 = tpu.memref_slice %arg33[%dma_start3A_1167] : memref<2x!tpu.dma_semaphore, #tpu.memory_space<semaphore_mem>> -> memref<1x!tpu.dma_semaphore, #tpu.memory_space<semaphore_mem>>
      %dma_start3A_1169 = tpu.memref_squeeze %dma_start3A_1168 : memref<1x!tpu.dma_semaphore, #tpu.memory_space<semaphore_mem>> -> memref<!tpu.dma_semaphore, #tpu.memory_space<semaphore_mem>>
      %dma_start3A_1170 = arith.constant 0 : i32
      %dma_start3A_1171 = tpu.memref_slice %arg30[%dma_start3A_1166, %dma_start3A_1170] : memref<2x4224xf32, #tpu.memory_space<vmem>> -> memref<1x4224xf32, #tpu.memory_space<vmem>>
      %dma_start3A_1172 = tpu.memref_squeeze %dma_start3A_1171 : memref<1x4224xf32, #tpu.memory_space<vmem>> -> memref<4224xf32, #tpu.memory_space<vmem>>
      %dma_start3A_1173 = tpu.memref_slice %arg23[%multiple_of3A_1155] : memref<130816xf32, #tpu.memory_space<any>> -> memref<4224xf32, #tpu.memory_space<any>>
      tpu.enqueue_dma source(%dma_start3A_1173 : memref<4224xf32, #tpu.memory_space<any>>) target(%dma_start3A_1172 : memref<4224xf32, #tpu.memory_space<vmem>>) target_semaphore(%dma_start3A_1169 : memref<!tpu.dma_semaphore, #tpu.memory_space<semaphore_mem>>)
      %get3A_1174 = arith.constant 0 : index
      %get3A_1175 = arith.constant 0 : index
      %get3A_1176 = arith.constant 0 : index
      %get3A_1177 = vector.load %arg1[%get3A_1174, %get3A_1175, %get3A_1176] : memref<2x512x512xf32, #tpu.memory_space<vmem>>, vector<1x512x512xf32>
      %get3A_1178 = vector.shape_cast %get3A_1177 : vector<1x512x512xf32> to vector<512x512xf32>
      %get3A_1179 = arith.constant 1 : index
      %get3A_1180 = arith.constant 0 : index
      %get3A_1181 = arith.constant 0 : index
      %get3A_1182 = vector.load %arg1[%get3A_1179, %get3A_1180, %get3A_1181] : memref<2x512x512xf32, #tpu.memory_space<vmem>>, vector<1x512x512xf32>
      %get3A_1183 = vector.shape_cast %get3A_1182 : vector<1x512x512xf32> to vector<512x512xf32>
      %add3A_1184 = arith.addf %get3A_1178, %get3A_1183 : vector<512x512xf32>
      %iota3A_1185 = tpu.iota {dimensions = array<i32: 0>} : vector<512x512xi32>
      %iota3A_1186 = tpu.iota {dimensions = array<i32: 1>} : vector<512x512xi32>
      %eq3A_1187 = arith.cmpi eq, %iota3A_1185, %iota3A_1186 : vector<512x512xi32>
      %jit3A_1188 = arith.constant 1.000000e+00 : f32
      %jit3A_1189 = arith.constant 0.000000e+00 : f32
      %broadcast_in_dim3A_1190 = vector.broadcast %jit3A_1188 : f32 to vector<512x512xf32>
      %broadcast_in_dim3A_1191 = vector.broadcast %jit3A_1189 : f32 to vector<512x512xf32>
      %select_n3A_1192 = arith.select %eq3A_1187, %broadcast_in_dim3A_1190, %broadcast_in_dim3A_1191 : vector<512x512xi1>, vector<512x512xf32>
      %add3A_1193 = arith.addf %add3A_1184, %select_n3A_1192 : vector<512x512xf32>
      %reduce_sum3A = arith.constant dense<0.000000e+00> : vector<512xf32>
      %reduce_sum3A_1194 = vector.multi_reduction <add>, %add3A_1193, %reduce_sum3A [1] : vector<512x512xf32> to vector<512xf32>
      %broadcast_in_dim3A_1195 = vector.shape_cast %reduce_sum3A_1194 : vector<512xf32> to vector<512x1xf32>
      %max3A_1196 = arith.constant 9.99999996E-13 : f32
      %max3A_1197 = vector.broadcast %max3A_1196 : f32 to vector<512x1xf32>
      %max3A_1198 = arith.maximumf %broadcast_in_dim3A_1195, %max3A_1197 : vector<512x1xf32>
      %rsqrt3A = math.rsqrt %max3A_1198 : vector<512x1xf32>
      %get3A_1199 = arith.constant 0 : index
      %get3A_1200 = arith.constant 0 : index
      %get3A_1201 = vector.load %arg2[%get3A_1199, %get3A_1200] : memref<512x128xf32, #tpu.memory_space<vmem>>, vector<512x128xf32>
      %get3A_1202 = arith.constant 0 : index
      %get3A_1203 = arith.constant 0 : index
      %get3A_1204 = vector.load %arg4[%get3A_1202, %get3A_1203] : memref<128x128xf32, #tpu.memory_space<vmem>>, vector<128x128xf32>
      %get3A_1205 = arith.constant 0 : index
      %get3A_1206 = vector.load %arg5[%get3A_1205] : memref<128xf32, #tpu.memory_space<vmem>>, vector<128xf32>
      %dot_general3A_1207 = arith.constant dense<0.000000e+00> : vector<512x128xf32>
      %dot_general3A_1208 = tpu.matmul %get3A_1201, %get3A_1204, %dot_general3A_1207 {dimension_numbers = #tpu.dot_dimension_numbers<[1], [1], [0], [0], [0, 0, 1, 0], [], []>, precision = #tpu.contract_precision<fp32>, transpose_lhs_hint = false} : vector<512x128xf32>, vector<128x128xf32>, vector<512x128xf32> -> vector<512x128xf32>
      %broadcast_in_dim3A_1209 = vector.shape_cast %get3A_1206 : vector<128xf32> to vector<1x128xf32>
      %add3A_1210 = vector.broadcast %broadcast_in_dim3A_1209 : vector<1x128xf32> to vector<512x128xf32>
      %add3A_1211 = arith.addf %dot_general3A_1208, %add3A_1210 : vector<512x128xf32>
      %mul3A_1212 = vector.broadcast %rsqrt3A : vector<512x1xf32> to vector<512x128xf32>
      %mul3A_1213 = arith.mulf %add3A_1211, %mul3A_1212 : vector<512x128xf32>
      %dot_general3A_1214 = arith.constant dense<0.000000e+00> : vector<512x128xf32>
      %dot_general3A_1215 = tpu.matmul %add3A_1193, %mul3A_1213, %dot_general3A_1214 {dimension_numbers = #tpu.dot_dimension_numbers<[1], [0], [0], [1], [0, 0, 1, 1], [], []>, precision = #tpu.contract_precision<fp32>, transpose_lhs_hint = false} : vector<512x512xf32>, vector<512x128xf32>, vector<512x128xf32> -> vector<512x128xf32>
      %mul3A_1216 = vector.broadcast %rsqrt3A : vector<512x1xf32> to vector<512x128xf32>
      %mul3A_1217 = arith.mulf %dot_general3A_1215, %mul3A_1216 : vector<512x128xf32>
      %get3A_1218 = arith.constant 0 : index
      %get3A_1219 = vector.load %arg6[%get3A_1218] : memref<128xf32, #tpu.memory_space<vmem>>, vector<128xf32>
      %get3A_1220 = arith.constant 0 : index
      %get3A_1221 = vector.load %arg7[%get3A_1220] : memref<128xf32, #tpu.memory_space<vmem>>, vector<128xf32>
      %reduce_sum3A_1222 = arith.constant dense<0.000000e+00> : vector<128xf32>
      %reduce_sum3A_1223 = vector.multi_reduction <add>, %mul3A_1217, %reduce_sum3A_1222 [0] : vector<512x128xf32> to vector<128xf32>
      %broadcast_in_dim3A_1224 = vector.shape_cast %reduce_sum3A_1223 : vector<128xf32> to vector<1x128xf32>
      %div3A_1225 = arith.constant 5.120000e+02 : f32
      %div3A_1226 = vector.broadcast %div3A_1225 : f32 to vector<1x128xf32>
      %div3A_1227 = arith.divf %broadcast_in_dim3A_1224, %div3A_1226 : vector<1x128xf32>
      %sub3A_1228 = vector.broadcast %div3A_1227 : vector<1x128xf32> to vector<512x128xf32>
      %sub3A_1229 = arith.subf %mul3A_1217, %sub3A_1228 : vector<512x128xf32>
      %integer_pow3A = arith.mulf %sub3A_1229, %sub3A_1229 : vector<512x128xf32>
      %reduce_sum3A_1230 = arith.constant dense<0.000000e+00> : vector<128xf32>
      %reduce_sum3A_1231 = vector.multi_reduction <add>, %integer_pow3A, %reduce_sum3A_1230 [0] : vector<512x128xf32> to vector<128xf32>
      %broadcast_in_dim3A_1232 = vector.shape_cast %reduce_sum3A_1231 : vector<128xf32> to vector<1x128xf32>
      %div3A_1233 = arith.constant 5.120000e+02 : f32
      %div3A_1234 = vector.broadcast %div3A_1233 : f32 to vector<1x128xf32>
      %div3A_1235 = arith.divf %broadcast_in_dim3A_1232, %div3A_1234 : vector<1x128xf32>
      %sub3A_1236 = vector.broadcast %div3A_1227 : vector<1x128xf32> to vector<512x128xf32>
      %sub3A_1237 = arith.subf %mul3A_1217, %sub3A_1236 : vector<512x128xf32>
      %add3A_1238 = arith.constant 9.99999974E-6 : f32
      %add3A_1239 = vector.broadcast %add3A_1238 : f32 to vector<1x128xf32>
      %add3A_1240 = arith.addf %div3A_1235, %add3A_1239 : vector<1x128xf32>
      %rsqrt3A_1241 = math.rsqrt %add3A_1240 : vector<1x128xf32>
      %mul3A_1242 = vector.broadcast %rsqrt3A_1241 : vector<1x128xf32> to vector<512x128xf32>
      %mul3A_1243 = arith.mulf %sub3A_1237, %mul3A_1242 : vector<512x128xf32>
      %broadcast_in_dim3A_1244 = vector.shape_cast %get3A_1219 : vector<128xf32> to vector<1x128xf32>
      %mul3A_1245 = vector.broadcast %broadcast_in_dim3A_1244 : vector<1x128xf32> to vector<512x128xf32>
      %mul3A_1246 = arith.mulf %mul3A_1243, %mul3A_1245 : vector<512x128xf32>
      %broadcast_in_dim3A_1247 = vector.shape_cast %get3A_1221 : vector<128xf32> to vector<1x128xf32>
      %add3A_1248 = vector.broadcast %broadcast_in_dim3A_1247 : vector<1x128xf32> to vector<512x128xf32>
      %add3A_1249 = arith.addf %mul3A_1246, %add3A_1248 : vector<512x128xf32>
      %max3A_1250 = arith.constant 0.000000e+00 : f32
      %max3A_1251 = vector.broadcast %max3A_1250 : f32 to vector<512x128xf32>
      %max3A_1252 = arith.maximumf %add3A_1249, %max3A_1251 : vector<512x128xf32>
      %get3A_1253 = arith.constant 0 : index
      %get3A_1254 = arith.constant 0 : index
      %get3A_1255 = vector.load %arg8[%get3A_1253, %get3A_1254] : memref<128x128xf32, #tpu.memory_space<vmem>>, vector<128x128xf32>
      %get3A_1256 = arith.constant 0 : index
      %get3A_1257 = vector.load %arg9[%get3A_1256] : memref<128xf32, #tpu.memory_space<vmem>>, vector<128xf32>
      %dot_general3A_1258 = arith.constant dense<0.000000e+00> : vector<512x128xf32>
      %dot_general3A_1259 = tpu.matmul %max3A_1252, %get3A_1255, %dot_general3A_1258 {dimension_numbers = #tpu.dot_dimension_numbers<[1], [1], [0], [0], [0, 0, 1, 0], [], []>, precision = #tpu.contract_precision<fp32>, transpose_lhs_hint = false} : vector<512x128xf32>, vector<128x128xf32>, vector<512x128xf32> -> vector<512x128xf32>
      %broadcast_in_dim3A_1260 = vector.shape_cast %get3A_1257 : vector<128xf32> to vector<1x128xf32>
      %add3A_1261 = vector.broadcast %broadcast_in_dim3A_1260 : vector<1x128xf32> to vector<512x128xf32>
      %add3A_1262 = arith.addf %dot_general3A_1259, %add3A_1261 : vector<512x128xf32>
      %mul3A_1263 = vector.broadcast %rsqrt3A : vector<512x1xf32> to vector<512x128xf32>
      %mul3A_1264 = arith.mulf %add3A_1262, %mul3A_1263 : vector<512x128xf32>
      %dot_general3A_1265 = arith.constant dense<0.000000e+00> : vector<512x128xf32>
      %dot_general3A_1266 = tpu.matmul %add3A_1193, %mul3A_1264, %dot_general3A_1265 {dimension_numbers = #tpu.dot_dimension_numbers<[1], [0], [0], [1], [0, 0, 1, 1], [], []>, precision = #tpu.contract_precision<fp32>, transpose_lhs_hint = false} : vector<512x512xf32>, vector<512x128xf32>, vector<512x128xf32> -> vector<512x128xf32>
      %mul3A_1267 = vector.broadcast %rsqrt3A : vector<512x1xf32> to vector<512x128xf32>
      %mul3A_1268 = arith.mulf %dot_general3A_1266, %mul3A_1267 : vector<512x128xf32>
      %get3A_1269 = arith.constant 0 : index
      %get3A_1270 = vector.load %arg10[%get3A_1269] : memref<128xf32, #tpu.memory_space<vmem>>, vector<128xf32>
      %get3A_1271 = arith.constant 0 : index
      %get3A_1272 = vector.load %arg11[%get3A_1271] : memref<128xf32, #tpu.memory_space<vmem>>, vector<128xf32>
      %reduce_sum3A_1273 = arith.constant dense<0.000000e+00> : vector<128xf32>
      %reduce_sum3A_1274 = vector.multi_reduction <add>, %mul3A_1268, %reduce_sum3A_1273 [0] : vector<512x128xf32> to vector<128xf32>
      %broadcast_in_dim3A_1275 = vector.shape_cast %reduce_sum3A_1274 : vector<128xf32> to vector<1x128xf32>
      %div3A_1276 = arith.constant 5.120000e+02 : f32
      %div3A_1277 = vector.broadcast %div3A_1276 : f32 to vector<1x128xf32>
      %div3A_1278 = arith.divf %broadcast_in_dim3A_1275, %div3A_1277 : vector<1x128xf32>
      %sub3A_1279 = vector.broadcast %div3A_1278 : vector<1x128xf32> to vector<512x128xf32>
      %sub3A_1280 = arith.subf %mul3A_1268, %sub3A_1279 : vector<512x128xf32>
      %integer_pow3A_1281 = arith.mulf %sub3A_1280, %sub3A_1280 : vector<512x128xf32>
      %reduce_sum3A_1282 = arith.constant dense<0.000000e+00> : vector<128xf32>
      %reduce_sum3A_1283 = vector.multi_reduction <add>, %integer_pow3A_1281, %reduce_sum3A_1282 [0] : vector<512x128xf32> to vector<128xf32>
      %broadcast_in_dim3A_1284 = vector.shape_cast %reduce_sum3A_1283 : vector<128xf32> to vector<1x128xf32>
      %div3A_1285 = arith.constant 5.120000e+02 : f32
      %div3A_1286 = vector.broadcast %div3A_1285 : f32 to vector<1x128xf32>
      %div3A_1287 = arith.divf %broadcast_in_dim3A_1284, %div3A_1286 : vector<1x128xf32>
      %sub3A_1288 = vector.broadcast %div3A_1278 : vector<1x128xf32> to vector<512x128xf32>
      %sub3A_1289 = arith.subf %mul3A_1268, %sub3A_1288 : vector<512x128xf32>
      %add3A_1290 = arith.constant 9.99999974E-6 : f32
      %add3A_1291 = vector.broadcast %add3A_1290 : f32 to vector<1x128xf32>
      %add3A_1292 = arith.addf %div3A_1287, %add3A_1291 : vector<1x128xf32>
      %rsqrt3A_1293 = math.rsqrt %add3A_1292 : vector<1x128xf32>
      %mul3A_1294 = vector.broadcast %rsqrt3A_1293 : vector<1x128xf32> to vector<512x128xf32>
      %mul3A_1295 = arith.mulf %sub3A_1289, %mul3A_1294 : vector<512x128xf32>
      %broadcast_in_dim3A_1296 = vector.shape_cast %get3A_1270 : vector<128xf32> to vector<1x128xf32>
      %mul3A_1297 = vector.broadcast %broadcast_in_dim3A_1296 : vector<1x128xf32> to vector<512x128xf32>
      %mul3A_1298 = arith.mulf %mul3A_1295, %mul3A_1297 : vector<512x128xf32>
      %broadcast_in_dim3A_1299 = vector.shape_cast %get3A_1272 : vector<128xf32> to vector<1x128xf32>
      %add3A_1300 = vector.broadcast %broadcast_in_dim3A_1299 : vector<1x128xf32> to vector<512x128xf32>
      %add3A_1301 = arith.addf %mul3A_1298, %add3A_1300 : vector<512x128xf32>
      %max3A_1302 = arith.constant 0.000000e+00 : f32
      %max3A_1303 = vector.broadcast %max3A_1302 : f32 to vector<512x128xf32>
      %max3A_1304 = arith.maximumf %add3A_1301, %max3A_1303 : vector<512x128xf32>
      %reduce_sum3A_1305 = arith.constant dense<0.000000e+00> : vector<128xf32>
      %reduce_sum3A_1306 = vector.multi_reduction <add>, %max3A_1304, %reduce_sum3A_1305 [0] : vector<512x128xf32> to vector<128xf32>
      %broadcast_in_dim3A_1307 = vector.shape_cast %reduce_sum3A_1306 : vector<128xf32> to vector<1x128xf32>
      %get3A_1308 = arith.constant 0 : index
      %get3A_1309 = arith.constant 0 : index
      %get3A_1310 = vector.load %arg22[%get3A_1308, %get3A_1309] : memref<1x1xf32, #tpu.memory_space<vmem>>, vector<1x1xf32>
      %get3A_1311 = vector.extract %get3A_1310[0, 0] : f32 from vector<1x1xf32>
      %div3A_1312 = vector.broadcast %get3A_1311 : f32 to vector<1x128xf32>
      %div3A_1313 = arith.divf %broadcast_in_dim3A_1307, %div3A_1312 : vector<1x128xf32>
      %get3A_1314 = arith.constant 0 : index
      %get3A_1315 = arith.constant 0 : index
      %get3A_1316 = vector.load %arg12[%get3A_1314, %get3A_1315] : memref<64x128xf32, #tpu.memory_space<vmem>>, vector<64x128xf32>
      %dot_general3A_1317 = arith.constant dense<0.000000e+00> : vector<1x64xf32>
      %dot_general3A_1318 = tpu.matmul %div3A_1313, %get3A_1316, %dot_general3A_1317 {dimension_numbers = #tpu.dot_dimension_numbers<[1], [1], [0], [0], [0, 0, 1, 0], [], []>, precision = #tpu.contract_precision<fp32>, transpose_lhs_hint = false} : vector<1x128xf32>, vector<64x128xf32>, vector<1x64xf32> -> vector<1x64xf32>
      %get3A_1319 = arith.constant 0 : index
      %get3A_1320 = vector.load %arg13[%get3A_1319] : memref<64xf32, #tpu.memory_space<vmem>>, vector<64xf32>
      %broadcast_in_dim3A_1321 = vector.shape_cast %get3A_1320 : vector<64xf32> to vector<1x64xf32>
      %add3A_1322 = arith.addf %dot_general3A_1318, %broadcast_in_dim3A_1321 : vector<1x64xf32>
      %get3A_1323 = arith.constant 0 : index
      %get3A_1324 = arith.constant 0 : index
      %get3A_1325 = vector.load %arg14[%get3A_1323, %get3A_1324] : memref<64x128xf32, #tpu.memory_space<vmem>>, vector<64x128xf32>
      %dot_general3A_1326 = arith.constant dense<0.000000e+00> : vector<1x64xf32>
      %dot_general3A_1327 = tpu.matmul %div3A_1313, %get3A_1325, %dot_general3A_1326 {dimension_numbers = #tpu.dot_dimension_numbers<[1], [1], [0], [0], [0, 0, 1, 0], [], []>, precision = #tpu.contract_precision<fp32>, transpose_lhs_hint = false} : vector<1x128xf32>, vector<64x128xf32>, vector<1x64xf32> -> vector<1x64xf32>
      %get3A_1328 = arith.constant 0 : index
      %get3A_1329 = vector.load %arg15[%get3A_1328] : memref<64xf32, #tpu.memory_space<vmem>>, vector<64xf32>
      %broadcast_in_dim3A_1330 = vector.shape_cast %get3A_1329 : vector<64xf32> to vector<1x64xf32>
      %add3A_1331 = arith.addf %dot_general3A_1327, %broadcast_in_dim3A_1330 : vector<1x64xf32>
      %jit3A_1332 = arith.constant -4.000000e+00 : f32
      %jit3A_1333 = arith.constant 4.000000e+00 : f32
      %max3A_1334 = vector.broadcast %jit3A_1332 : f32 to vector<1x64xf32>
      %max3A_1335 = arith.maximumf %max3A_1334, %add3A_1331 : vector<1x64xf32>
      %min3A_1336 = vector.broadcast %jit3A_1333 : f32 to vector<1x64xf32>
      %min3A_1337 = arith.minimumf %min3A_1336, %max3A_1335 : vector<1x64xf32>
      %get3A_1338 = arith.constant 0 : index
      %get3A_1339 = arith.constant 0 : index
      %get3A_1340 = vector.load %arg3[%get3A_1338, %get3A_1339] : memref<1x64xf32, #tpu.memory_space<vmem>>, vector<1x64xf32>
      %mul3A_1341 = arith.constant 5.000000e-01 : f32
      %mul3A_1342 = vector.broadcast %mul3A_1341 : f32 to vector<1x64xf32>
      %mul3A_1343 = arith.mulf %mul3A_1342, %min3A_1337 : vector<1x64xf32>
      %exp3A = math.exp %mul3A_1343 : vector<1x64xf32>
      %mul3A_1344 = arith.mulf %get3A_1340, %exp3A : vector<1x64xf32>
      %add3A_1345 = arith.addf %add3A_1322, %mul3A_1344 : vector<1x64xf32>
      %get3A_1346 = arith.constant 0 : index
      %get3A_1347 = arith.constant 0 : index
      %get3A_1348 = vector.load %arg16[%get3A_1346, %get3A_1347] : memref<128x64xf32, #tpu.memory_space<vmem>>, vector<128x64xf32>
      %dot_general3A_1349 = arith.constant dense<0.000000e+00> : vector<1x128xf32>
      %dot_general3A_1350 = tpu.matmul %add3A_1345, %get3A_1348, %dot_general3A_1349 {dimension_numbers = #tpu.dot_dimension_numbers<[1], [1], [0], [0], [0, 0, 1, 0], [], []>, precision = #tpu.contract_precision<fp32>, transpose_lhs_hint = false} : vector<1x64xf32>, vector<128x64xf32>, vector<1x128xf32> -> vector<1x128xf32>
      %get3A_1351 = arith.constant 0 : index
      %get3A_1352 = vector.load %arg17[%get3A_1351] : memref<128xf32, #tpu.memory_space<vmem>>, vector<128xf32>
      %broadcast_in_dim3A_1353 = vector.shape_cast %get3A_1352 : vector<128xf32> to vector<1x128xf32>
      %add3A_1354 = arith.addf %dot_general3A_1350, %broadcast_in_dim3A_1353 : vector<1x128xf32>
      %max3A_1355 = arith.constant 0.000000e+00 : f32
      %max3A_1356 = vector.broadcast %max3A_1355 : f32 to vector<1x128xf32>
      %max3A_1357 = arith.maximumf %add3A_1354, %max3A_1356 : vector<1x128xf32>
      %swap3A_1358 = arith.constant 0 : index
      %swap3A_1359 = arith.constant 0 : index
      %swap3A_1360 = vector.load %arg26[%swap3A_1358, %swap3A_1359] : memref<1x128xf32, #tpu.memory_space<vmem>>, vector<1x128xf32>
      tpu.vector_store %arg26[%swap3A_1358, %swap3A_1359], %max3A_1357 {strides = array<i32>} : memref<1x128xf32, #tpu.memory_space<vmem>>, vector<1x128xf32>,
      %get3A_1361 = arith.constant 0 : index
      %get3A_1362 = arith.constant 0 : index
      %get3A_1363 = vector.load %arg18[%get3A_1361, %get3A_1362] : memref<128x64xf32, #tpu.memory_space<vmem>>, vector<128x64xf32>
      %dot_general3A_1364 = arith.constant dense<0.000000e+00> : vector<1x128xf32>
      %dot_general3A_1365 = tpu.matmul %add3A_1345, %get3A_1363, %dot_general3A_1364 {dimension_numbers = #tpu.dot_dimension_numbers<[1], [1], [0], [0], [0, 0, 1, 0], [], []>, precision = #tpu.contract_precision<fp32>, transpose_lhs_hint = false} : vector<1x64xf32>, vector<128x64xf32>, vector<1x128xf32> -> vector<1x128xf32>
      %get3A_1366 = arith.constant 0 : index
      %get3A_1367 = vector.load %arg19[%get3A_1366] : memref<128xf32, #tpu.memory_space<vmem>>, vector<128xf32>
      %broadcast_in_dim3A_1368 = vector.shape_cast %get3A_1367 : vector<128xf32> to vector<1x128xf32>
      %add3A_1369 = arith.addf %dot_general3A_1365, %broadcast_in_dim3A_1368 : vector<1x128xf32>
      %max3A_1370 = arith.constant 0.000000e+00 : f32
      %max3A_1371 = vector.broadcast %max3A_1370 : f32 to vector<1x128xf32>
      %max3A_1372 = arith.maximumf %add3A_1369, %max3A_1371 : vector<1x128xf32>
      %get3A_1373 = arith.constant 0 : index
      %get3A_1374 = arith.constant 0 : index
      %get3A_1375 = vector.load %arg20[%get3A_1373, %get3A_1374] : memref<512x128xf32, #tpu.memory_space<vmem>>, vector<512x128xf32>
      %dot_general3A_1376 = arith.constant dense<0.000000e+00> : vector<1x512xf32>
      %dot_general3A_1377 = tpu.matmul %max3A_1372, %get3A_1375, %dot_general3A_1376 {dimension_numbers = #tpu.dot_dimension_numbers<[1], [1], [0], [0], [0, 0, 1, 0], [], []>, precision = #tpu.contract_precision<fp32>, transpose_lhs_hint = false} : vector<1x128xf32>, vector<512x128xf32>, vector<1x512xf32> -> vector<1x512xf32>
      %get3A_1378 = arith.constant 0 : index
      %get3A_1379 = vector.load %arg21[%get3A_1378] : memref<512xf32, #tpu.memory_space<vmem>>, vector<512xf32>
      %broadcast_in_dim3A_1380 = vector.shape_cast %get3A_1379 : vector<512xf32> to vector<1x512xf32>
      %add3A_1381 = arith.addf %dot_general3A_1377, %broadcast_in_dim3A_1380 : vector<1x512xf32>
      %swap3A_1382 = arith.constant 0 : index
      %swap3A_1383 = arith.constant 0 : index
      %swap3A_1384 = vector.load %arg27[%swap3A_1382, %swap3A_1383] : memref<1x512xf32, #tpu.memory_space<vmem>>, vector<1x512xf32>
      tpu.vector_store %arg27[%swap3A_1382, %swap3A_1383], %add3A_1381 {strides = array<i32>} : memref<1x512xf32, #tpu.memory_space<vmem>>, vector<1x512xf32>,
    } else {
    }
    %gt3A = arith.constant 0 : i32
    %gt3A_2 = arith.cmpi sgt, %arg0, %gt3A : i32
    %convert_element_type3A_3 = arith.extui %gt3A_2 : i1 to i32
    %cond3A_4 = arith.constant 0 : i32
    %cond3A_5 = arith.cmpi ne, %convert_element_type3A_3, %cond3A_4 : i32
    scf.if %cond3A_5 {
      %lt3A_1005 = arith.constant 63 : i32
      %lt3A_1006 = arith.cmpi slt, %arg0, %lt3A_1005 : i32
      %convert_element_type3A_1007 = arith.extui %lt3A_1006 : i1 to i32
      %cond3A_1008 = arith.constant 0 : i32
      %cond3A_1009 = arith.cmpi ne, %convert_element_type3A_1007, %cond3A_1008 : i32
      scf.if %cond3A_1009 {
        %add3A_1010 = arith.constant 1 : i32
        %add3A_1011 = arith.addi %arg0, %add3A_1010 : i32
        %add3A_1012 = arith.constant 1 : i32
        %add3A_1013 = arith.addi %arg0, %add3A_1012 : i32
        %rem3A_1014 = arith.constant 2 : i32
        %rem3A_1015 = arith.remsi %add3A_1013, %rem3A_1014 : i32
        %mul3A_1016 = arith.constant 8 : i32
        %mul3A_1017 = arith.muli %add3A_1011, %mul3A_1016 : i32
        %mul3A_1018 = arith.constant 511 : i32
        %mul3A_1019 = arith.muli %mul3A_1018, %mul3A_1017 : i32
        %sub3A_1020 = arith.constant 1 : i32
        %sub3A_1021 = arith.subi %mul3A_1017, %sub3A_1020 : i32
        %mul3A_1022 = arith.muli %mul3A_1017, %sub3A_1021 : i32
        %jit3A_1023 = arith.constant 2 : i32
        %div3A_1024 = arith.divsi %mul3A_1022, %jit3A_1023 : i32
        %sign3A_1025 = arith.constant 0 : i32
        %sign3A_1026 = arith.cmpi sgt, %mul3A_1022, %sign3A_1025 : i32
        %sign3A_1027 = arith.extui %sign3A_1026 : i1 to i32
        %sign3A_1028 = arith.constant 0 : i32
        %sign3A_1029 = arith.cmpi slt, %mul3A_1022, %sign3A_1028 : i32
        %sign3A_1030 = arith.extui %sign3A_1029 : i1 to i32
        %sign3A_1031 = arith.subi %sign3A_1027, %sign3A_1030 : i32
        %sign3A_1032 = arith.constant 0 : i32
        %sign3A_1033 = arith.cmpi sgt, %jit3A_1023, %sign3A_1032 : i32
        %sign3A_1034 = arith.extui %sign3A_1033 : i1 to i32
        %sign3A_1035 = arith.constant 0 : i32
        %sign3A_1036 = arith.cmpi slt, %jit3A_1023, %sign3A_1035 : i32
        %sign3A_1037 = arith.extui %sign3A_1036 : i1 to i32
        %sign3A_1038 = arith.subi %sign3A_1034, %sign3A_1037 : i32
        %ne3A_1039 = arith.cmpi ne, %sign3A_1031, %sign3A_1038 : i32
        %rem3A_1040 = arith.remsi %mul3A_1022, %jit3A_1023 : i32
        %ne3A_1041 = arith.constant 0 : i32
        %ne3A_1042 = arith.cmpi ne, %rem3A_1040, %ne3A_1041 : i32
        %and3A_1043 = arith.andi %ne3A_1039, %ne3A_1042 : i1
        %sub3A_1044 = arith.constant 1 : i32
        %sub3A_1045 = arith.subi %div3A_1024, %sub3A_1044 : i32
        %select_n3A_1046 = arith.select %and3A_1043, %sub3A_1045, %div3A_1024 : i32
        %sub3A_1047 = arith.subi %mul3A_1019, %select_n3A_1046 : i32
        %sub3A_1048 = arith.subi %sub3A_1047, %mul3A_1017 : i32
        %sub3A_1049 = arith.constant 1 : i32
        %sub3A_1050 = arith.subi %sub3A_1048, %sub3A_1049 : i32
        %jit3A_1051 = arith.constant 128 : i32
        %div3A_1052 = arith.divsi %sub3A_1050, %jit3A_1051 : i32
        %sign3A_1053 = arith.constant 0 : i32
        %sign3A_1054 = arith.cmpi sgt, %sub3A_1050, %sign3A_1053 : i32
        %sign3A_1055 = arith.extui %sign3A_1054 : i1 to i32
        %sign3A_1056 = arith.constant 0 : i32
        %sign3A_1057 = arith.cmpi slt, %sub3A_1050, %sign3A_1056 : i32
        %sign3A_1058 = arith.extui %sign3A_1057 : i1 to i32
        %sign3A_1059 = arith.subi %sign3A_1055, %sign3A_1058 : i32
        %sign3A_1060 = arith.constant 0 : i32
        %sign3A_1061 = arith.cmpi sgt, %jit3A_1051, %sign3A_1060 : i32
        %sign3A_1062 = arith.extui %sign3A_1061 : i1 to i32
        %sign3A_1063 = arith.constant 0 : i32
        %sign3A_1064 = arith.cmpi slt, %jit3A_1051, %sign3A_1063 : i32
        %sign3A_1065 = arith.extui %sign3A_1064 : i1 to i32
        %sign3A_1066 = arith.subi %sign3A_1062, %sign3A_1065 : i32
        %ne3A_1067 = arith.cmpi ne, %sign3A_1059, %sign3A_1066 : i32
        %rem3A_1068 = arith.remsi %sub3A_1050, %jit3A_1051 : i32
        %ne3A_1069 = arith.constant 0 : i32
        %ne3A_1070 = arith.cmpi ne, %rem3A_1068, %ne3A_1069 : i32
        %and3A_1071 = arith.andi %ne3A_1067, %ne3A_1070 : i1
        %sub3A_1072 = arith.constant 1 : i32
        %sub3A_1073 = arith.subi %div3A_1052, %sub3A_1072 : i32
        %select_n3A_1074 = arith.select %and3A_1071, %sub3A_1073, %div3A_1052 : i32
        %mul3A_1075 = arith.constant 128 : i32
        %mul3A_1076 = arith.muli %select_n3A_1074, %mul3A_1075 : i32
        %jit3A_1077 = arith.constant 0 : i32
        %jit3A_1078 = arith.constant 126592 : i32
        %max3A_1079 = arith.maxsi %jit3A_1077, %mul3A_1076 : i32
        %min3A_1080 = arith.minsi %jit3A_1078, %max3A_1079 : i32
        %multiple_of3A_1081 = tpu.assume_multiple %min3A_1080, 128 : i32
        %dma_start3A = tpu.memref_slice %arg32[%rem3A_1015] : memref<2x!tpu.dma_semaphore, #tpu.memory_space<semaphore_mem>> -> memref<1x!tpu.dma_semaphore, #tpu.memory_space<semaphore_mem>>
        %dma_start3A_1082 = tpu.memref_squeeze %dma_start3A : memref<1x!tpu.dma_semaphore, #tpu.memory_space<semaphore_mem>> -> memref<!tpu.dma_semaphore, #tpu.memory_space<semaphore_mem>>
        %dma_start3A_1083 = arith.constant 0 : i32
        %dma_start3A_1084 = arith.constant 0 : i32
        %dma_start3A_1085 = tpu.memref_slice %arg29[%rem3A_1015, %dma_start3A_1083, %dma_start3A_1084] : memref<2x4224x128xf32, #tpu.memory_space<vmem>> -> memref<1x4224x128xf32, #tpu.memory_space<vmem>>
        %dma_start3A_1086 = tpu.memref_squeeze %dma_start3A_1085 : memref<1x4224x128xf32, #tpu.memory_space<vmem>> -> memref<4224x128xf32, #tpu.memory_space<vmem>>
        %dma_start3A_1087 = arith.constant 0 : i32
        %dma_start3A_1088 = tpu.memref_slice %arg24[%multiple_of3A_1081, %dma_start3A_1087] : memref<130816x128xf32, #tpu.memory_space<any>> -> memref<4224x128xf32, #tpu.memory_space<any>>
        tpu.enqueue_dma source(%dma_start3A_1088 : memref<4224x128xf32, #tpu.memory_space<any>>) target(%dma_start3A_1086 : memref<4224x128xf32, #tpu.memory_space<vmem>>) target_semaphore(%dma_start3A_1082 : memref<!tpu.dma_semaphore, #tpu.memory_space<semaphore_mem>>)
        %dma_start3A_1089 = tpu.memref_slice %arg33[%rem3A_1015] : memref<2x!tpu.dma_semaphore, #tpu.memory_space<semaphore_mem>> -> memref<1x!tpu.dma_semaphore, #tpu.memory_space<semaphore_mem>>
        %dma_start3A_1090 = tpu.memref_squeeze %dma_start3A_1089 : memref<1x!tpu.dma_semaphore, #tpu.memory_space<semaphore_mem>> -> memref<!tpu.dma_semaphore, #tpu.memory_space<semaphore_mem>>
        %dma_start3A_1091 = arith.constant 0 : i32
        %dma_start3A_1092 = tpu.memref_slice %arg30[%rem3A_1015, %dma_start3A_1091] : memref<2x4224xf32, #tpu.memory_space<vmem>> -> memref<1x4224xf32, #tpu.memory_space<vmem>>
        %dma_start3A_1093 = tpu.memref_squeeze %dma_start3A_1092 : memref<1x4224xf32, #tpu.memory_space<vmem>> -> memref<4224xf32, #tpu.memory_space<vmem>>
        %dma_start3A_1094 = tpu.memref_slice %arg23[%multiple_of3A_1081] : memref<130816xf32, #tpu.memory_space<any>> -> memref<4224xf32, #tpu.memory_space<any>>
        tpu.enqueue_dma source(%dma_start3A_1094 : memref<4224xf32, #tpu.memory_space<any>>) target(%dma_start3A_1093 : memref<4224xf32, #tpu.memory_space<vmem>>) target_semaphore(%dma_start3A_1090 : memref<!tpu.dma_semaphore, #tpu.memory_space<semaphore_mem>>)
      } else {
      }
    } else {
    }
    %rem3A = arith.constant 2 : i32
    %rem3A_6 = arith.remsi %arg0, %rem3A : i32
    %mul3A = arith.constant 8 : i32
    %mul3A_7 = arith.muli %arg0, %mul3A : i32
    %mul3A_8 = arith.constant 511 : i32
    %mul3A_9 = arith.muli %mul3A_8, %mul3A_7 : i32
    %sub3A = arith.constant 1 : i32
    %sub3A_10 = arith.subi %mul3A_7, %sub3A : i32
    %mul3A_11 = arith.muli %mul3A_7, %sub3A_10 : i32
    %jit3A = arith.constant 2 : i32
    %div3A = arith.divsi %mul3A_11, %jit3A : i32
    %sign3A = arith.constant 0 : i32
    %sign3A_12 = arith.cmpi sgt, %mul3A_11, %sign3A : i32
    %sign3A_13 = arith.extui %sign3A_12 : i1 to i32
    %sign3A_14 = arith.constant 0 : i32
    %sign3A_15 = arith.cmpi slt, %mul3A_11, %sign3A_14 : i32
    %sign3A_16 = arith.extui %sign3A_15 : i1 to i32
    %sign3A_17 = arith.subi %sign3A_13, %sign3A_16 : i32
    %sign3A_18 = arith.constant 0 : i32
    %sign3A_19 = arith.cmpi sgt, %jit3A, %sign3A_18 : i32
    %sign3A_20 = arith.extui %sign3A_19 : i1 to i32
    %sign3A_21 = arith.constant 0 : i32
    %sign3A_22 = arith.cmpi slt, %jit3A, %sign3A_21 : i32
    %sign3A_23 = arith.extui %sign3A_22 : i1 to i32
    %sign3A_24 = arith.subi %sign3A_20, %sign3A_23 : i32
    %ne3A = arith.cmpi ne, %sign3A_17, %sign3A_24 : i32
    %rem3A_25 = arith.remsi %mul3A_11, %jit3A : i32
    %ne3A_26 = arith.constant 0 : i32
    %ne3A_27 = arith.cmpi ne, %rem3A_25, %ne3A_26 : i32
    %and3A = arith.andi %ne3A, %ne3A_27 : i1
    %sub3A_28 = arith.constant 1 : i32
    %sub3A_29 = arith.subi %div3A, %sub3A_28 : i32
    %select_n3A = arith.select %and3A, %sub3A_29, %div3A : i32
    %sub3A_30 = arith.subi %mul3A_9, %select_n3A : i32
    %sub3A_31 = arith.subi %sub3A_30, %mul3A_7 : i32
    %sub3A_32 = arith.constant 1 : i32
    %sub3A_33 = arith.subi %sub3A_31, %sub3A_32 : i32
    %jit3A_34 = arith.constant 128 : i32
    %div3A_35 = arith.divsi %sub3A_33, %jit3A_34 : i32
    %sign3A_36 = arith.constant 0 : i32
    %sign3A_37 = arith.cmpi sgt, %sub3A_33, %sign3A_36 : i32
    %sign3A_38 = arith.extui %sign3A_37 : i1 to i32
    %sign3A_39 = arith.constant 0 : i32
    %sign3A_40 = arith.cmpi slt, %sub3A_33, %sign3A_39 : i32
    %sign3A_41 = arith.extui %sign3A_40 : i1 to i32
    %sign3A_42 = arith.subi %sign3A_38, %sign3A_41 : i32
    %sign3A_43 = arith.constant 0 : i32
    %sign3A_44 = arith.cmpi sgt, %jit3A_34, %sign3A_43 : i32
    %sign3A_45 = arith.extui %sign3A_44 : i1 to i32
    %sign3A_46 = arith.constant 0 : i32
    %sign3A_47 = arith.cmpi slt, %jit3A_34, %sign3A_46 : i32
    %sign3A_48 = arith.extui %sign3A_47 : i1 to i32
    %sign3A_49 = arith.subi %sign3A_45, %sign3A_48 : i32
    %ne3A_50 = arith.cmpi ne, %sign3A_42, %sign3A_49 : i32
    %rem3A_51 = arith.remsi %sub3A_33, %jit3A_34 : i32
    %ne3A_52 = arith.constant 0 : i32
    %ne3A_53 = arith.cmpi ne, %rem3A_51, %ne3A_52 : i32
    %and3A_54 = arith.andi %ne3A_50, %ne3A_53 : i1
    %sub3A_55 = arith.constant 1 : i32
    %sub3A_56 = arith.subi %div3A_35, %sub3A_55 : i32
    %select_n3A_57 = arith.select %and3A_54, %sub3A_56, %div3A_35 : i32
    %mul3A_58 = arith.constant 128 : i32
    %mul3A_59 = arith.muli %select_n3A_57, %mul3A_58 : i32
    %jit3A_60 = arith.constant 0 : i32
    %jit3A_61 = arith.constant 126592 : i32
    %max3A = arith.maxsi %jit3A_60, %mul3A_59 : i32
    %min3A = arith.minsi %jit3A_61, %max3A : i32
    %multiple_of3A = tpu.assume_multiple %min3A, 128 : i32
    %dma_wait3A = tpu.memref_slice %arg32[%rem3A_6] : memref<2x!tpu.dma_semaphore, #tpu.memory_space<semaphore_mem>> -> memref<1x!tpu.dma_semaphore, #tpu.memory_space<semaphore_mem>>
    %dma_wait3A_62 = tpu.memref_squeeze %dma_wait3A : memref<1x!tpu.dma_semaphore, #tpu.memory_space<semaphore_mem>> -> memref<!tpu.dma_semaphore, #tpu.memory_space<semaphore_mem>>
    %dma_wait3A_63 = arith.constant 0 : i32
    %dma_wait3A_64 = arith.constant 0 : i32
    %dma_wait3A_65 = tpu.memref_slice %arg29[%rem3A_6, %dma_wait3A_63, %dma_wait3A_64] : memref<2x4224x128xf32, #tpu.memory_space<vmem>> -> memref<1x4224x128xf32, #tpu.memory_space<vmem>>
    %dma_wait3A_66 = tpu.memref_squeeze %dma_wait3A_65 : memref<1x4224x128xf32, #tpu.memory_space<vmem>> -> memref<4224x128xf32, #tpu.memory_space<vmem>>
    %dma_wait3A_67 = arith.constant 0 : i32
    %dma_wait3A_68 = tpu.memref_slice %arg24[%multiple_of3A, %dma_wait3A_67] : memref<130816x128xf32, #tpu.memory_space<any>> -> memref<4224x128xf32, #tpu.memory_space<any>>
    tpu.wait_dma2 semaphore(%dma_wait3A_62 : memref<!tpu.dma_semaphore, #tpu.memory_space<semaphore_mem>>) src(%dma_wait3A_68 : memref<4224x128xf32, #tpu.memory_space<any>>) dst(%dma_wait3A_66 : memref<4224x128xf32, #tpu.memory_space<vmem>>)
    %dma_wait3A_69 = tpu.memref_slice %arg33[%rem3A_6] : memref<2x!tpu.dma_semaphore, #tpu.memory_space<semaphore_mem>> -> memref<1x!tpu.dma_semaphore, #tpu.memory_space<semaphore_mem>>
    %dma_wait3A_70 = tpu.memref_squeeze %dma_wait3A_69 : memref<1x!tpu.dma_semaphore, #tpu.memory_space<semaphore_mem>> -> memref<!tpu.dma_semaphore, #tpu.memory_space<semaphore_mem>>
    %dma_wait3A_71 = arith.constant 0 : i32
    %dma_wait3A_72 = tpu.memref_slice %arg30[%rem3A_6, %dma_wait3A_71] : memref<2x4224xf32, #tpu.memory_space<vmem>> -> memref<1x4224xf32, #tpu.memory_space<vmem>>
    %dma_wait3A_73 = tpu.memref_squeeze %dma_wait3A_72 : memref<1x4224xf32, #tpu.memory_space<vmem>> -> memref<4224xf32, #tpu.memory_space<vmem>>
    %dma_wait3A_74 = tpu.memref_slice %arg23[%multiple_of3A] : memref<130816xf32, #tpu.memory_space<any>> -> memref<4224xf32, #tpu.memory_space<any>>
    tpu.wait_dma2 semaphore(%dma_wait3A_70 : memref<!tpu.dma_semaphore, #tpu.memory_space<semaphore_mem>>) src(%dma_wait3A_74 : memref<4224xf32, #tpu.memory_space<any>>) dst(%dma_wait3A_73 : memref<4224xf32, #tpu.memory_space<vmem>>)
    %get3A = arith.index_cast %rem3A_6 : i32 to index
    %get3A_75 = arith.constant 0 : index
    %get3A_76 = arith.constant 0 : index
    %get3A_77 = vector.load %arg29[%get3A, %get3A_75, %get3A_76] : memref<2x4224x128xf32, #tpu.memory_space<vmem>>, vector<1x4224x128xf32>
    %get3A_78 = vector.shape_cast %get3A_77 : vector<1x4224x128xf32> to vector<4224x128xf32>
    %get3A_79 = arith.constant 0 : index
    %get3A_80 = arith.constant 0 : index
    %get3A_81 = vector.load %arg26[%get3A_79, %get3A_80] : memref<1x128xf32, #tpu.memory_space<vmem>>, vector<1x128xf32>
    %dot_general3A = arith.constant dense<0.000000e+00> : vector<1x4224xf32>
    %dot_general3A_82 = tpu.matmul %get3A_81, %get3A_78, %dot_general3A {dimension_numbers = #tpu.dot_dimension_numbers<[1], [1], [0], [0], [0, 0, 1, 0], [], []>, precision = #tpu.contract_precision<fp32>, transpose_lhs_hint = false} : vector<1x128xf32>, vector<4224x128xf32>, vector<1x4224xf32> -> vector<1x4224xf32>
    %swap3A = arith.constant 0 : index
    %swap3A_83 = arith.constant 0 : index
    %swap3A_84 = vector.load %arg31[%swap3A, %swap3A_83] : memref<1x4224xf32, #tpu.memory_space<vmem>>, vector<1x4224xf32>
    tpu.vector_store %arg31[%swap3A, %swap3A_83], %dot_general3A_82 {strides = array<i32>} : memref<1x4224xf32, #tpu.memory_space<vmem>>, vector<1x4224xf32>,
    %mul3A_85 = arith.constant 8 : i32
    %mul3A_86 = arith.muli %arg0, %mul3A_85 : i32
    %mul3A_87 = arith.constant 511 : i32
    %mul3A_88 = arith.muli %mul3A_87, %mul3A_86 : i32
    %sub3A_89 = arith.constant 1 : i32
    %sub3A_90 = arith.subi %mul3A_86, %sub3A_89 : i32
    %mul3A_91 = arith.muli %mul3A_86, %sub3A_90 : i32
    %jit3A_92 = arith.constant 2 : i32
    %div3A_93 = arith.divsi %mul3A_91, %jit3A_92 : i32
    %sign3A_94 = arith.constant 0 : i32
    %sign3A_95 = arith.cmpi sgt, %mul3A_91, %sign3A_94 : i32
    %sign3A_96 = arith.extui %sign3A_95 : i1 to i32
    %sign3A_97 = arith.constant 0 : i32
    %sign3A_98 = arith.cmpi slt, %mul3A_91, %sign3A_97 : i32
    %sign3A_99 = arith.extui %sign3A_98 : i1 to i32
    %sign3A_100 = arith.subi %sign3A_96, %sign3A_99 : i32
    %sign3A_101 = arith.constant 0 : i32
    %sign3A_102 = arith.cmpi sgt, %jit3A_92, %sign3A_101 : i32
    %sign3A_103 = arith.extui %sign3A_102 : i1 to i32
    %sign3A_104 = arith.constant 0 : i32
    %sign3A_105 = arith.cmpi slt, %jit3A_92, %sign3A_104 : i32
    %sign3A_106 = arith.extui %sign3A_105 : i1 to i32
    %sign3A_107 = arith.subi %sign3A_103, %sign3A_106 : i32
    %ne3A_108 = arith.cmpi ne, %sign3A_100, %sign3A_107 : i32
    %rem3A_109 = arith.remsi %mul3A_91, %jit3A_92 : i32
    %ne3A_110 = arith.constant 0 : i32
    %ne3A_111 = arith.cmpi ne, %rem3A_109, %ne3A_110 : i32
    %and3A_112 = arith.andi %ne3A_108, %ne3A_111 : i1
    %sub3A_113 = arith.constant 1 : i32
    %sub3A_114 = arith.subi %div3A_93, %sub3A_113 : i32
    %select_n3A_115 = arith.select %and3A_112, %sub3A_114, %div3A_93 : i32
    %sub3A_116 = arith.subi %mul3A_88, %select_n3A_115 : i32
    %sub3A_117 = arith.subi %sub3A_116, %mul3A_86 : i32
    %sub3A_118 = arith.constant 1 : i32
    %sub3A_119 = arith.subi %sub3A_117, %sub3A_118 : i32
    %jit3A_120 = arith.constant 128 : i32
    %div3A_121 = arith.divsi %sub3A_119, %jit3A_120 : i32
    %sign3A_122 = arith.constant 0 : i32
    %sign3A_123 = arith.cmpi sgt, %sub3A_119, %sign3A_122 : i32
    %sign3A_124 = arith.extui %sign3A_123 : i1 to i32
    %sign3A_125 = arith.constant 0 : i32
    %sign3A_126 = arith.cmpi slt, %sub3A_119, %sign3A_125 : i32
    %sign3A_127 = arith.extui %sign3A_126 : i1 to i32
    %sign3A_128 = arith.subi %sign3A_124, %sign3A_127 : i32
    %sign3A_129 = arith.constant 0 : i32
    %sign3A_130 = arith.cmpi sgt, %jit3A_120, %sign3A_129 : i32
    %sign3A_131 = arith.extui %sign3A_130 : i1 to i32
    %sign3A_132 = arith.constant 0 : i32
    %sign3A_133 = arith.cmpi slt, %jit3A_120, %sign3A_132 : i32
    %sign3A_134 = arith.extui %sign3A_133 : i1 to i32
    %sign3A_135 = arith.subi %sign3A_131, %sign3A_134 : i32
    %ne3A_136 = arith.cmpi ne, %sign3A_128, %sign3A_135 : i32
    %rem3A_137 = arith.remsi %sub3A_119, %jit3A_120 : i32
    %ne3A_138 = arith.constant 0 : i32
    %ne3A_139 = arith.cmpi ne, %rem3A_137, %ne3A_138 : i32
    %and3A_140 = arith.andi %ne3A_136, %ne3A_139 : i1
    %sub3A_141 = arith.constant 1 : i32
    %sub3A_142 = arith.subi %div3A_121, %sub3A_141 : i32
    %select_n3A_143 = arith.select %and3A_140, %sub3A_142, %div3A_121 : i32
    %mul3A_144 = arith.constant 128 : i32
    %mul3A_145 = arith.muli %select_n3A_143, %mul3A_144 : i32
    %jit3A_146 = arith.constant 0 : i32
    %jit3A_147 = arith.constant 126592 : i32
    %max3A_148 = arith.maxsi %jit3A_146, %mul3A_145 : i32
    %min3A_149 = arith.minsi %jit3A_147, %max3A_148 : i32
    %multiple_of3A_150 = tpu.assume_multiple %min3A_149, 128 : i32
    %iota3A = tpu.iota {dimensions = array<i32: 1>} : vector<1x512xi32>
    %mul3A_151 = arith.constant 8 : i32
    %mul3A_152 = arith.muli %arg0, %mul3A_151 : i32
    %add3A = arith.constant 0 : i32
    %add3A_153 = arith.addi %mul3A_152, %add3A : i32
    %mul3A_154 = arith.constant 511 : i32
    %mul3A_155 = arith.muli %mul3A_154, %add3A_153 : i32
    %sub3A_156 = arith.constant 1 : i32
    %sub3A_157 = arith.subi %add3A_153, %sub3A_156 : i32
    %mul3A_158 = arith.muli %add3A_153, %sub3A_157 : i32
    %jit3A_159 = arith.constant 2 : i32
    %div3A_160 = arith.divsi %mul3A_158, %jit3A_159 : i32
    %sign3A_161 = arith.constant 0 : i32
    %sign3A_162 = arith.cmpi sgt, %mul3A_158, %sign3A_161 : i32
    %sign3A_163 = arith.extui %sign3A_162 : i1 to i32
    %sign3A_164 = arith.constant 0 : i32
    %sign3A_165 = arith.cmpi slt, %mul3A_158, %sign3A_164 : i32
    %sign3A_166 = arith.extui %sign3A_165 : i1 to i32
    %sign3A_167 = arith.subi %sign3A_163, %sign3A_166 : i32
    %sign3A_168 = arith.constant 0 : i32
    %sign3A_169 = arith.cmpi sgt, %jit3A_159, %sign3A_168 : i32
    %sign3A_170 = arith.extui %sign3A_169 : i1 to i32
    %sign3A_171 = arith.constant 0 : i32
    %sign3A_172 = arith.cmpi slt, %jit3A_159, %sign3A_171 : i32
    %sign3A_173 = arith.extui %sign3A_172 : i1 to i32
    %sign3A_174 = arith.subi %sign3A_170, %sign3A_173 : i32
    %ne3A_175 = arith.cmpi ne, %sign3A_167, %sign3A_174 : i32
    %rem3A_176 = arith.remsi %mul3A_158, %jit3A_159 : i32
    %ne3A_177 = arith.constant 0 : i32
    %ne3A_178 = arith.cmpi ne, %rem3A_176, %ne3A_177 : i32
    %and3A_179 = arith.andi %ne3A_175, %ne3A_178 : i1
    %sub3A_180 = arith.constant 1 : i32
    %sub3A_181 = arith.subi %div3A_160, %sub3A_180 : i32
    %select_n3A_182 = arith.select %and3A_179, %sub3A_181, %div3A_160 : i32
    %sub3A_183 = arith.subi %mul3A_155, %select_n3A_182 : i32
    %sub3A_184 = arith.subi %sub3A_183, %add3A_153 : i32
    %sub3A_185 = arith.constant 1 : i32
    %sub3A_186 = arith.subi %sub3A_184, %sub3A_185 : i32
    %sub3A_187 = arith.subi %sub3A_186, %multiple_of3A_150 : i32
    %jit3A_188 = arith.constant 128 : i32
    %div3A_189 = arith.divsi %sub3A_187, %jit3A_188 : i32
    %sign3A_190 = arith.constant 0 : i32
    %sign3A_191 = arith.cmpi sgt, %sub3A_187, %sign3A_190 : i32
    %sign3A_192 = arith.extui %sign3A_191 : i1 to i32
    %sign3A_193 = arith.constant 0 : i32
    %sign3A_194 = arith.cmpi slt, %sub3A_187, %sign3A_193 : i32
    %sign3A_195 = arith.extui %sign3A_194 : i1 to i32
    %sign3A_196 = arith.subi %sign3A_192, %sign3A_195 : i32
    %sign3A_197 = arith.constant 0 : i32
    %sign3A_198 = arith.cmpi sgt, %jit3A_188, %sign3A_197 : i32
    %sign3A_199 = arith.extui %sign3A_198 : i1 to i32
    %sign3A_200 = arith.constant 0 : i32
    %sign3A_201 = arith.cmpi slt, %jit3A_188, %sign3A_200 : i32
    %sign3A_202 = arith.extui %sign3A_201 : i1 to i32
    %sign3A_203 = arith.subi %sign3A_199, %sign3A_202 : i32
    %ne3A_204 = arith.cmpi ne, %sign3A_196, %sign3A_203 : i32
    %rem3A_205 = arith.remsi %sub3A_187, %jit3A_188 : i32
    %ne3A_206 = arith.constant 0 : i32
    %ne3A_207 = arith.cmpi ne, %rem3A_205, %ne3A_206 : i32
    %and3A_208 = arith.andi %ne3A_204, %ne3A_207 : i1
    %sub3A_209 = arith.constant 1 : i32
    %sub3A_210 = arith.subi %div3A_189, %sub3A_209 : i32
    %select_n3A_211 = arith.select %and3A_208, %sub3A_210, %div3A_189 : i32
    %mul3A_212 = arith.constant 128 : i32
    %mul3A_213 = arith.muli %select_n3A_211, %mul3A_212 : i32
    %jit3A_214 = arith.constant 0 : i32
    %jit3A_215 = arith.constant 3584 : i32
    %max3A_216 = arith.maxsi %jit3A_214, %mul3A_213 : i32
    %min3A_217 = arith.minsi %jit3A_215, %max3A_216 : i32
    %multiple_of3A_218 = tpu.assume_multiple %min3A_217, 128 : i32
    %sub3A_219 = arith.subi %sub3A_187, %multiple_of3A_218 : i32
    %get3A_220 = arith.constant 0 : index
    %get3A_221 = arith.index_cast %multiple_of3A_218 : i32 to index
    %get3A_222 = vector.load %arg31[%get3A_220, %get3A_221] : memref<1x4224xf32, #tpu.memory_space<vmem>>, vector<1x640xf32>
    %get3A_223 = arith.index_cast %rem3A_6 : i32 to index
    %get3A_224 = arith.index_cast %multiple_of3A_218 : i32 to index
    %get3A_225 = vector.load %arg30[%get3A_223, %get3A_224] : memref<2x4224xf32, #tpu.memory_space<vmem>>, vector<1x640xf32>
    %get3A_226 = vector.shape_cast %get3A_225 : vector<1x640xf32> to vector<640xf32>
    %reshape3A = vector.shape_cast %get3A_226 : vector<640xf32> to vector<1x640xf32>
    %add3A_227 = arith.addf %get3A_222, %reshape3A : vector<1x640xf32>
    %neg3A = arith.constant 0 : i32
    %neg3A_228 = arith.subi %neg3A, %sub3A_219 : i32
    %jit3A_229 = arith.constant 640 : i32
    %eq3A_230 = arith.constant 0 : i32
    %eq3A_231 = arith.cmpi eq, %jit3A_229, %eq3A_230 : i32
    %jit3A_232 = arith.constant 1 : i32
    %select_n3A_233 = arith.select %eq3A_231, %jit3A_232, %jit3A_229 : i32
    %rem3A_234 = arith.remsi %neg3A_228, %select_n3A_233 : i32
    %ne3A_235 = arith.constant 0 : i32
    %ne3A_236 = arith.cmpi ne, %rem3A_234, %ne3A_235 : i32
    %lt3A = arith.constant 0 : i32
    %lt3A_237 = arith.cmpi slt, %rem3A_234, %lt3A : i32
    %lt3A_238 = arith.constant 0 : i32
    %lt3A_239 = arith.cmpi slt, %select_n3A_233, %lt3A_238 : i32
    %ne3A_240 = arith.xori %lt3A_237, %lt3A_239 : i1
    %and3A_241 = arith.andi %ne3A_240, %ne3A_236 : i1
    %add3A_242 = arith.addi %rem3A_234, %select_n3A_233 : i32
    %select_n3A_243 = arith.select %and3A_241, %add3A_242, %rem3A_234 : i32
    %roll3A = tpu.dynamic_rotate %add3A_227 by %select_n3A_243 dim 1 : vector<1x640xf32>, i32 -> vector<1x640xf32>
    %gt3A_244 = vector.broadcast %add3A_153 : i32 to vector<1x512xi32>
    %gt3A_245 = arith.cmpi sgt, %iota3A, %gt3A_244 : vector<1x512xi32>
    %slice3A = vector.extract_strided_slice %roll3A {offsets = [0, 0], sizes = [1, 512], strides = [1, 1]} : vector<1x640xf32> to vector<1x512xf32>
    %jit3A_246 = arith.constant 0.000000e+00 : f32
    %broadcast_in_dim3A = vector.broadcast %jit3A_246 : f32 to vector<1x512xf32>
    %select_n3A_247 = arith.select %gt3A_245, %slice3A, %broadcast_in_dim3A : vector<1x512xi1>, vector<1x512xf32>
    %swap3A_248 = arith.index_cast %add3A_153 : i32 to index
    %swap3A_249 = arith.constant 0 : index
    %swap3A_250 = vector.load %arg28[%swap3A_248, %swap3A_249] : memref<512x512xf32, #tpu.memory_space<vmem>>, vector<1x512xf32>
    tpu.vector_store %arg28[%swap3A_248, %swap3A_249], %select_n3A_247 {strides = array<i32>} : memref<512x512xf32, #tpu.memory_space<vmem>>, vector<1x512xf32>,
    %mul3A_251 = arith.constant 8 : i32
    %mul3A_252 = arith.muli %arg0, %mul3A_251 : i32
    %add3A_253 = arith.constant 1 : i32
    %add3A_254 = arith.addi %mul3A_252, %add3A_253 : i32
    %mul3A_255 = arith.constant 511 : i32
    %mul3A_256 = arith.muli %mul3A_255, %add3A_254 : i32
    %sub3A_257 = arith.constant 1 : i32
    %sub3A_258 = arith.subi %add3A_254, %sub3A_257 : i32
    %mul3A_259 = arith.muli %add3A_254, %sub3A_258 : i32
    %jit3A_260 = arith.constant 2 : i32
    %div3A_261 = arith.divsi %mul3A_259, %jit3A_260 : i32
    %sign3A_262 = arith.constant 0 : i32
    %sign3A_263 = arith.cmpi sgt, %mul3A_259, %sign3A_262 : i32
    %sign3A_264 = arith.extui %sign3A_263 : i1 to i32
    %sign3A_265 = arith.constant 0 : i32
    %sign3A_266 = arith.cmpi slt, %mul3A_259, %sign3A_265 : i32
    %sign3A_267 = arith.extui %sign3A_266 : i1 to i32
    %sign3A_268 = arith.subi %sign3A_264, %sign3A_267 : i32
    %sign3A_269 = arith.constant 0 : i32
    %sign3A_270 = arith.cmpi sgt, %jit3A_260, %sign3A_269 : i32
    %sign3A_271 = arith.extui %sign3A_270 : i1 to i32
    %sign3A_272 = arith.constant 0 : i32
    %sign3A_273 = arith.cmpi slt, %jit3A_260, %sign3A_272 : i32
    %sign3A_274 = arith.extui %sign3A_273 : i1 to i32
    %sign3A_275 = arith.subi %sign3A_271, %sign3A_274 : i32
    %ne3A_276 = arith.cmpi ne, %sign3A_268, %sign3A_275 : i32
    %rem3A_277 = arith.remsi %mul3A_259, %jit3A_260 : i32
    %ne3A_278 = arith.constant 0 : i32
    %ne3A_279 = arith.cmpi ne, %rem3A_277, %ne3A_278 : i32
    %and3A_280 = arith.andi %ne3A_276, %ne3A_279 : i1
    %sub3A_281 = arith.constant 1 : i32
    %sub3A_282 = arith.subi %div3A_261, %sub3A_281 : i32
    %select_n3A_283 = arith.select %and3A_280, %sub3A_282, %div3A_261 : i32
    %sub3A_284 = arith.subi %mul3A_256, %select_n3A_283 : i32
    %sub3A_285 = arith.subi %sub3A_284, %add3A_254 : i32
    %sub3A_286 = arith.constant 1 : i32
    %sub3A_287 = arith.subi %sub3A_285, %sub3A_286 : i32
    %sub3A_288 = arith.subi %sub3A_287, %multiple_of3A_150 : i32
    %jit3A_289 = arith.constant 128 : i32
    %div3A_290 = arith.divsi %sub3A_288, %jit3A_289 : i32
    %sign3A_291 = arith.constant 0 : i32
    %sign3A_292 = arith.cmpi sgt, %sub3A_288, %sign3A_291 : i32
    %sign3A_293 = arith.extui %sign3A_292 : i1 to i32
    %sign3A_294 = arith.constant 0 : i32
    %sign3A_295 = arith.cmpi slt, %sub3A_288, %sign3A_294 : i32
    %sign3A_296 = arith.extui %sign3A_295 : i1 to i32
    %sign3A_297 = arith.subi %sign3A_293, %sign3A_296 : i32
    %sign3A_298 = arith.constant 0 : i32
    %sign3A_299 = arith.cmpi sgt, %jit3A_289, %sign3A_298 : i32
    %sign3A_300 = arith.extui %sign3A_299 : i1 to i32
    %sign3A_301 = arith.constant 0 : i32
    %sign3A_302 = arith.cmpi slt, %jit3A_289, %sign3A_301 : i32
    %sign3A_303 = arith.extui %sign3A_302 : i1 to i32
    %sign3A_304 = arith.subi %sign3A_300, %sign3A_303 : i32
    %ne3A_305 = arith.cmpi ne, %sign3A_297, %sign3A_304 : i32
    %rem3A_306 = arith.remsi %sub3A_288, %jit3A_289 : i32
    %ne3A_307 = arith.constant 0 : i32
    %ne3A_308 = arith.cmpi ne, %rem3A_306, %ne3A_307 : i32
    %and3A_309 = arith.andi %ne3A_305, %ne3A_308 : i1
    %sub3A_310 = arith.constant 1 : i32
    %sub3A_311 = arith.subi %div3A_290, %sub3A_310 : i32
    %select_n3A_312 = arith.select %and3A_309, %sub3A_311, %div3A_290 : i32
    %mul3A_313 = arith.constant 128 : i32
    %mul3A_314 = arith.muli %select_n3A_312, %mul3A_313 : i32
    %jit3A_315 = arith.constant 0 : i32
    %jit3A_316 = arith.constant 3584 : i32
    %max3A_317 = arith.maxsi %jit3A_315, %mul3A_314 : i32
    %min3A_318 = arith.minsi %jit3A_316, %max3A_317 : i32
    %multiple_of3A_319 = tpu.assume_multiple %min3A_318, 128 : i32
    %sub3A_320 = arith.subi %sub3A_288, %multiple_of3A_319 : i32
    %get3A_321 = arith.constant 0 : index
    %get3A_322 = arith.index_cast %multiple_of3A_319 : i32 to index
    %get3A_323 = vector.load %arg31[%get3A_321, %get3A_322] : memref<1x4224xf32, #tpu.memory_space<vmem>>, vector<1x640xf32>
    %get3A_324 = arith.index_cast %rem3A_6 : i32 to index
    %get3A_325 = arith.index_cast %multiple_of3A_319 : i32 to index
    %get3A_326 = vector.load %arg30[%get3A_324, %get3A_325] : memref<2x4224xf32, #tpu.memory_space<vmem>>, vector<1x640xf32>
    %get3A_327 = vector.shape_cast %get3A_326 : vector<1x640xf32> to vector<640xf32>
    %reshape3A_328 = vector.shape_cast %get3A_327 : vector<640xf32> to vector<1x640xf32>
    %add3A_329 = arith.addf %get3A_323, %reshape3A_328 : vector<1x640xf32>
    %neg3A_330 = arith.constant 0 : i32
    %neg3A_331 = arith.subi %neg3A_330, %sub3A_320 : i32
    %jit3A_332 = arith.constant 640 : i32
    %eq3A_333 = arith.constant 0 : i32
    %eq3A_334 = arith.cmpi eq, %jit3A_332, %eq3A_333 : i32
    %jit3A_335 = arith.constant 1 : i32
    %select_n3A_336 = arith.select %eq3A_334, %jit3A_335, %jit3A_332 : i32
    %rem3A_337 = arith.remsi %neg3A_331, %select_n3A_336 : i32
    %ne3A_338 = arith.constant 0 : i32
    %ne3A_339 = arith.cmpi ne, %rem3A_337, %ne3A_338 : i32
    %lt3A_340 = arith.constant 0 : i32
    %lt3A_341 = arith.cmpi slt, %rem3A_337, %lt3A_340 : i32
    %lt3A_342 = arith.constant 0 : i32
    %lt3A_343 = arith.cmpi slt, %select_n3A_336, %lt3A_342 : i32
    %ne3A_344 = arith.xori %lt3A_341, %lt3A_343 : i1
    %and3A_345 = arith.andi %ne3A_344, %ne3A_339 : i1
    %add3A_346 = arith.addi %rem3A_337, %select_n3A_336 : i32
    %select_n3A_347 = arith.select %and3A_345, %add3A_346, %rem3A_337 : i32
    %roll3A_348 = tpu.dynamic_rotate %add3A_329 by %select_n3A_347 dim 1 : vector<1x640xf32>, i32 -> vector<1x640xf32>
    %gt3A_349 = vector.broadcast %add3A_254 : i32 to vector<1x512xi32>
    %gt3A_350 = arith.cmpi sgt, %iota3A, %gt3A_349 : vector<1x512xi32>
    %slice3A_351 = vector.extract_strided_slice %roll3A_348 {offsets = [0, 0], sizes = [1, 512], strides = [1, 1]} : vector<1x640xf32> to vector<1x512xf32>
    %jit3A_352 = arith.constant 0.000000e+00 : f32
    %broadcast_in_dim3A_353 = vector.broadcast %jit3A_352 : f32 to vector<1x512xf32>
    %select_n3A_354 = arith.select %gt3A_350, %slice3A_351, %broadcast_in_dim3A_353 : vector<1x512xi1>, vector<1x512xf32>
    %swap3A_355 = arith.index_cast %add3A_254 : i32 to index
    %swap3A_356 = arith.constant 0 : index
    %swap3A_357 = vector.load %arg28[%swap3A_355, %swap3A_356] : memref<512x512xf32, #tpu.memory_space<vmem>>, vector<1x512xf32>
    tpu.vector_store %arg28[%swap3A_355, %swap3A_356], %select_n3A_354 {strides = array<i32>} : memref<512x512xf32, #tpu.memory_space<vmem>>, vector<1x512xf32>,
    %mul3A_358 = arith.constant 8 : i32
    %mul3A_359 = arith.muli %arg0, %mul3A_358 : i32
    %add3A_360 = arith.constant 2 : i32
    %add3A_361 = arith.addi %mul3A_359, %add3A_360 : i32
    %mul3A_362 = arith.constant 511 : i32
    %mul3A_363 = arith.muli %mul3A_362, %add3A_361 : i32
    %sub3A_364 = arith.constant 1 : i32
    %sub3A_365 = arith.subi %add3A_361, %sub3A_364 : i32
    %mul3A_366 = arith.muli %add3A_361, %sub3A_365 : i32
    %jit3A_367 = arith.constant 2 : i32
    %div3A_368 = arith.divsi %mul3A_366, %jit3A_367 : i32
    %sign3A_369 = arith.constant 0 : i32
    %sign3A_370 = arith.cmpi sgt, %mul3A_366, %sign3A_369 : i32
    %sign3A_371 = arith.extui %sign3A_370 : i1 to i32
    %sign3A_372 = arith.constant 0 : i32
    %sign3A_373 = arith.cmpi slt, %mul3A_366, %sign3A_372 : i32
    %sign3A_374 = arith.extui %sign3A_373 : i1 to i32
    %sign3A_375 = arith.subi %sign3A_371, %sign3A_374 : i32
    %sign3A_376 = arith.constant 0 : i32
    %sign3A_377 = arith.cmpi sgt, %jit3A_367, %sign3A_376 : i32
    %sign3A_378 = arith.extui %sign3A_377 : i1 to i32
    %sign3A_379 = arith.constant 0 : i32
    %sign3A_380 = arith.cmpi slt, %jit3A_367, %sign3A_379 : i32
    %sign3A_381 = arith.extui %sign3A_380 : i1 to i32
    %sign3A_382 = arith.subi %sign3A_378, %sign3A_381 : i32
    %ne3A_383 = arith.cmpi ne, %sign3A_375, %sign3A_382 : i32
    %rem3A_384 = arith.remsi %mul3A_366, %jit3A_367 : i32
    %ne3A_385 = arith.constant 0 : i32
    %ne3A_386 = arith.cmpi ne, %rem3A_384, %ne3A_385 : i32
    %and3A_387 = arith.andi %ne3A_383, %ne3A_386 : i1
    %sub3A_388 = arith.constant 1 : i32
    %sub3A_389 = arith.subi %div3A_368, %sub3A_388 : i32
    %select_n3A_390 = arith.select %and3A_387, %sub3A_389, %div3A_368 : i32
    %sub3A_391 = arith.subi %mul3A_363, %select_n3A_390 : i32
    %sub3A_392 = arith.subi %sub3A_391, %add3A_361 : i32
    %sub3A_393 = arith.constant 1 : i32
    %sub3A_394 = arith.subi %sub3A_392, %sub3A_393 : i32
    %sub3A_395 = arith.subi %sub3A_394, %multiple_of3A_150 : i32
    %jit3A_396 = arith.constant 128 : i32
    %div3A_397 = arith.divsi %sub3A_395, %jit3A_396 : i32
    %sign3A_398 = arith.constant 0 : i32
    %sign3A_399 = arith.cmpi sgt, %sub3A_395, %sign3A_398 : i32
    %sign3A_400 = arith.extui %sign3A_399 : i1 to i32
    %sign3A_401 = arith.constant 0 : i32
    %sign3A_402 = arith.cmpi slt, %sub3A_395, %sign3A_401 : i32
    %sign3A_403 = arith.extui %sign3A_402 : i1 to i32
    %sign3A_404 = arith.subi %sign3A_400, %sign3A_403 : i32
    %sign3A_405 = arith.constant 0 : i32
    %sign3A_406 = arith.cmpi sgt, %jit3A_396, %sign3A_405 : i32
    %sign3A_407 = arith.extui %sign3A_406 : i1 to i32
    %sign3A_408 = arith.constant 0 : i32
    %sign3A_409 = arith.cmpi slt, %jit3A_396, %sign3A_408 : i32
    %sign3A_410 = arith.extui %sign3A_409 : i1 to i32
    %sign3A_411 = arith.subi %sign3A_407, %sign3A_410 : i32
    %ne3A_412 = arith.cmpi ne, %sign3A_404, %sign3A_411 : i32
    %rem3A_413 = arith.remsi %sub3A_395, %jit3A_396 : i32
    %ne3A_414 = arith.constant 0 : i32
    %ne3A_415 = arith.cmpi ne, %rem3A_413, %ne3A_414 : i32
    %and3A_416 = arith.andi %ne3A_412, %ne3A_415 : i1
    %sub3A_417 = arith.constant 1 : i32
    %sub3A_418 = arith.subi %div3A_397, %sub3A_417 : i32
    %select_n3A_419 = arith.select %and3A_416, %sub3A_418, %div3A_397 : i32
    %mul3A_420 = arith.constant 128 : i32
    %mul3A_421 = arith.muli %select_n3A_419, %mul3A_420 : i32
    %jit3A_422 = arith.constant 0 : i32
    %jit3A_423 = arith.constant 3584 : i32
    %max3A_424 = arith.maxsi %jit3A_422, %mul3A_421 : i32
    %min3A_425 = arith.minsi %jit3A_423, %max3A_424 : i32
    %multiple_of3A_426 = tpu.assume_multiple %min3A_425, 128 : i32
    %sub3A_427 = arith.subi %sub3A_395, %multiple_of3A_426 : i32
    %get3A_428 = arith.constant 0 : index
    %get3A_429 = arith.index_cast %multiple_of3A_426 : i32 to index
    %get3A_430 = vector.load %arg31[%get3A_428, %get3A_429] : memref<1x4224xf32, #tpu.memory_space<vmem>>, vector<1x640xf32>
    %get3A_431 = arith.index_cast %rem3A_6 : i32 to index
    %get3A_432 = arith.index_cast %multiple_of3A_426 : i32 to index
    %get3A_433 = vector.load %arg30[%get3A_431, %get3A_432] : memref<2x4224xf32, #tpu.memory_space<vmem>>, vector<1x640xf32>
    %get3A_434 = vector.shape_cast %get3A_433 : vector<1x640xf32> to vector<640xf32>
    %reshape3A_435 = vector.shape_cast %get3A_434 : vector<640xf32> to vector<1x640xf32>
    %add3A_436 = arith.addf %get3A_430, %reshape3A_435 : vector<1x640xf32>
    %neg3A_437 = arith.constant 0 : i32
    %neg3A_438 = arith.subi %neg3A_437, %sub3A_427 : i32
    %jit3A_439 = arith.constant 640 : i32
    %eq3A_440 = arith.constant 0 : i32
    %eq3A_441 = arith.cmpi eq, %jit3A_439, %eq3A_440 : i32
    %jit3A_442 = arith.constant 1 : i32
    %select_n3A_443 = arith.select %eq3A_441, %jit3A_442, %jit3A_439 : i32
    %rem3A_444 = arith.remsi %neg3A_438, %select_n3A_443 : i32
    %ne3A_445 = arith.constant 0 : i32
    %ne3A_446 = arith.cmpi ne, %rem3A_444, %ne3A_445 : i32
    %lt3A_447 = arith.constant 0 : i32
    %lt3A_448 = arith.cmpi slt, %rem3A_444, %lt3A_447 : i32
    %lt3A_449 = arith.constant 0 : i32
    %lt3A_450 = arith.cmpi slt, %select_n3A_443, %lt3A_449 : i32
    %ne3A_451 = arith.xori %lt3A_448, %lt3A_450 : i1
    %and3A_452 = arith.andi %ne3A_451, %ne3A_446 : i1
    %add3A_453 = arith.addi %rem3A_444, %select_n3A_443 : i32
    %select_n3A_454 = arith.select %and3A_452, %add3A_453, %rem3A_444 : i32
    %roll3A_455 = tpu.dynamic_rotate %add3A_436 by %select_n3A_454 dim 1 : vector<1x640xf32>, i32 -> vector<1x640xf32>
    %gt3A_456 = vector.broadcast %add3A_361 : i32 to vector<1x512xi32>
    %gt3A_457 = arith.cmpi sgt, %iota3A, %gt3A_456 : vector<1x512xi32>
    %slice3A_458 = vector.extract_strided_slice %roll3A_455 {offsets = [0, 0], sizes = [1, 512], strides = [1, 1]} : vector<1x640xf32> to vector<1x512xf32>
    %jit3A_459 = arith.constant 0.000000e+00 : f32
    %broadcast_in_dim3A_460 = vector.broadcast %jit3A_459 : f32 to vector<1x512xf32>
    %select_n3A_461 = arith.select %gt3A_457, %slice3A_458, %broadcast_in_dim3A_460 : vector<1x512xi1>, vector<1x512xf32>
    %swap3A_462 = arith.index_cast %add3A_361 : i32 to index
    %swap3A_463 = arith.constant 0 : index
    %swap3A_464 = vector.load %arg28[%swap3A_462, %swap3A_463] : memref<512x512xf32, #tpu.memory_space<vmem>>, vector<1x512xf32>
    tpu.vector_store %arg28[%swap3A_462, %swap3A_463], %select_n3A_461 {strides = array<i32>} : memref<512x512xf32, #tpu.memory_space<vmem>>, vector<1x512xf32>,
    %mul3A_465 = arith.constant 8 : i32
    %mul3A_466 = arith.muli %arg0, %mul3A_465 : i32
    %add3A_467 = arith.constant 3 : i32
    %add3A_468 = arith.addi %mul3A_466, %add3A_467 : i32
    %mul3A_469 = arith.constant 511 : i32
    %mul3A_470 = arith.muli %mul3A_469, %add3A_468 : i32
    %sub3A_471 = arith.constant 1 : i32
    %sub3A_472 = arith.subi %add3A_468, %sub3A_471 : i32
    %mul3A_473 = arith.muli %add3A_468, %sub3A_472 : i32
    %jit3A_474 = arith.constant 2 : i32
    %div3A_475 = arith.divsi %mul3A_473, %jit3A_474 : i32
    %sign3A_476 = arith.constant 0 : i32
    %sign3A_477 = arith.cmpi sgt, %mul3A_473, %sign3A_476 : i32
    %sign3A_478 = arith.extui %sign3A_477 : i1 to i32
    %sign3A_479 = arith.constant 0 : i32
    %sign3A_480 = arith.cmpi slt, %mul3A_473, %sign3A_479 : i32
    %sign3A_481 = arith.extui %sign3A_480 : i1 to i32
    %sign3A_482 = arith.subi %sign3A_478, %sign3A_481 : i32
    %sign3A_483 = arith.constant 0 : i32
    %sign3A_484 = arith.cmpi sgt, %jit3A_474, %sign3A_483 : i32
    %sign3A_485 = arith.extui %sign3A_484 : i1 to i32
    %sign3A_486 = arith.constant 0 : i32
    %sign3A_487 = arith.cmpi slt, %jit3A_474, %sign3A_486 : i32
    %sign3A_488 = arith.extui %sign3A_487 : i1 to i32
    %sign3A_489 = arith.subi %sign3A_485, %sign3A_488 : i32
    %ne3A_490 = arith.cmpi ne, %sign3A_482, %sign3A_489 : i32
    %rem3A_491 = arith.remsi %mul3A_473, %jit3A_474 : i32
    %ne3A_492 = arith.constant 0 : i32
    %ne3A_493 = arith.cmpi ne, %rem3A_491, %ne3A_492 : i32
    %and3A_494 = arith.andi %ne3A_490, %ne3A_493 : i1
    %sub3A_495 = arith.constant 1 : i32
    %sub3A_496 = arith.subi %div3A_475, %sub3A_495 : i32
    %select_n3A_497 = arith.select %and3A_494, %sub3A_496, %div3A_475 : i32
    %sub3A_498 = arith.subi %mul3A_470, %select_n3A_497 : i32
    %sub3A_499 = arith.subi %sub3A_498, %add3A_468 : i32
    %sub3A_500 = arith.constant 1 : i32
    %sub3A_501 = arith.subi %sub3A_499, %sub3A_500 : i32
    %sub3A_502 = arith.subi %sub3A_501, %multiple_of3A_150 : i32
    %jit3A_503 = arith.constant 128 : i32
    %div3A_504 = arith.divsi %sub3A_502, %jit3A_503 : i32
    %sign3A_505 = arith.constant 0 : i32
    %sign3A_506 = arith.cmpi sgt, %sub3A_502, %sign3A_505 : i32
    %sign3A_507 = arith.extui %sign3A_506 : i1 to i32
    %sign3A_508 = arith.constant 0 : i32
    %sign3A_509 = arith.cmpi slt, %sub3A_502, %sign3A_508 : i32
    %sign3A_510 = arith.extui %sign3A_509 : i1 to i32
    %sign3A_511 = arith.subi %sign3A_507, %sign3A_510 : i32
    %sign3A_512 = arith.constant 0 : i32
    %sign3A_513 = arith.cmpi sgt, %jit3A_503, %sign3A_512 : i32
    %sign3A_514 = arith.extui %sign3A_513 : i1 to i32
    %sign3A_515 = arith.constant 0 : i32
    %sign3A_516 = arith.cmpi slt, %jit3A_503, %sign3A_515 : i32
    %sign3A_517 = arith.extui %sign3A_516 : i1 to i32
    %sign3A_518 = arith.subi %sign3A_514, %sign3A_517 : i32
    %ne3A_519 = arith.cmpi ne, %sign3A_511, %sign3A_518 : i32
    %rem3A_520 = arith.remsi %sub3A_502, %jit3A_503 : i32
    %ne3A_521 = arith.constant 0 : i32
    %ne3A_522 = arith.cmpi ne, %rem3A_520, %ne3A_521 : i32
    %and3A_523 = arith.andi %ne3A_519, %ne3A_522 : i1
    %sub3A_524 = arith.constant 1 : i32
    %sub3A_525 = arith.subi %div3A_504, %sub3A_524 : i32
    %select_n3A_526 = arith.select %and3A_523, %sub3A_525, %div3A_504 : i32
    %mul3A_527 = arith.constant 128 : i32
    %mul3A_528 = arith.muli %select_n3A_526, %mul3A_527 : i32
    %jit3A_529 = arith.constant 0 : i32
    %jit3A_530 = arith.constant 3584 : i32
    %max3A_531 = arith.maxsi %jit3A_529, %mul3A_528 : i32
    %min3A_532 = arith.minsi %jit3A_530, %max3A_531 : i32
    %multiple_of3A_533 = tpu.assume_multiple %min3A_532, 128 : i32
    %sub3A_534 = arith.subi %sub3A_502, %multiple_of3A_533 : i32
    %get3A_535 = arith.constant 0 : index
    %get3A_536 = arith.index_cast %multiple_of3A_533 : i32 to index
    %get3A_537 = vector.load %arg31[%get3A_535, %get3A_536] : memref<1x4224xf32, #tpu.memory_space<vmem>>, vector<1x640xf32>
    %get3A_538 = arith.index_cast %rem3A_6 : i32 to index
    %get3A_539 = arith.index_cast %multiple_of3A_533 : i32 to index
    %get3A_540 = vector.load %arg30[%get3A_538, %get3A_539] : memref<2x4224xf32, #tpu.memory_space<vmem>>, vector<1x640xf32>
    %get3A_541 = vector.shape_cast %get3A_540 : vector<1x640xf32> to vector<640xf32>
    %reshape3A_542 = vector.shape_cast %get3A_541 : vector<640xf32> to vector<1x640xf32>
    %add3A_543 = arith.addf %get3A_537, %reshape3A_542 : vector<1x640xf32>
    %neg3A_544 = arith.constant 0 : i32
    %neg3A_545 = arith.subi %neg3A_544, %sub3A_534 : i32
    %jit3A_546 = arith.constant 640 : i32
    %eq3A_547 = arith.constant 0 : i32
    %eq3A_548 = arith.cmpi eq, %jit3A_546, %eq3A_547 : i32
    %jit3A_549 = arith.constant 1 : i32
    %select_n3A_550 = arith.select %eq3A_548, %jit3A_549, %jit3A_546 : i32
    %rem3A_551 = arith.remsi %neg3A_545, %select_n3A_550 : i32
    %ne3A_552 = arith.constant 0 : i32
    %ne3A_553 = arith.cmpi ne, %rem3A_551, %ne3A_552 : i32
    %lt3A_554 = arith.constant 0 : i32
    %lt3A_555 = arith.cmpi slt, %rem3A_551, %lt3A_554 : i32
    %lt3A_556 = arith.constant 0 : i32
    %lt3A_557 = arith.cmpi slt, %select_n3A_550, %lt3A_556 : i32
    %ne3A_558 = arith.xori %lt3A_555, %lt3A_557 : i1
    %and3A_559 = arith.andi %ne3A_558, %ne3A_553 : i1
    %add3A_560 = arith.addi %rem3A_551, %select_n3A_550 : i32
    %select_n3A_561 = arith.select %and3A_559, %add3A_560, %rem3A_551 : i32
    %roll3A_562 = tpu.dynamic_rotate %add3A_543 by %select_n3A_561 dim 1 : vector<1x640xf32>, i32 -> vector<1x640xf32>
    %gt3A_563 = vector.broadcast %add3A_468 : i32 to vector<1x512xi32>
    %gt3A_564 = arith.cmpi sgt, %iota3A, %gt3A_563 : vector<1x512xi32>
    %slice3A_565 = vector.extract_strided_slice %roll3A_562 {offsets = [0, 0], sizes = [1, 512], strides = [1, 1]} : vector<1x640xf32> to vector<1x512xf32>
    %jit3A_566 = arith.constant 0.000000e+00 : f32
    %broadcast_in_dim3A_567 = vector.broadcast %jit3A_566 : f32 to vector<1x512xf32>
    %select_n3A_568 = arith.select %gt3A_564, %slice3A_565, %broadcast_in_dim3A_567 : vector<1x512xi1>, vector<1x512xf32>
    %swap3A_569 = arith.index_cast %add3A_468 : i32 to index
    %swap3A_570 = arith.constant 0 : index
    %swap3A_571 = vector.load %arg28[%swap3A_569, %swap3A_570] : memref<512x512xf32, #tpu.memory_space<vmem>>, vector<1x512xf32>
    tpu.vector_store %arg28[%swap3A_569, %swap3A_570], %select_n3A_568 {strides = array<i32>} : memref<512x512xf32, #tpu.memory_space<vmem>>, vector<1x512xf32>,
    %mul3A_572 = arith.constant 8 : i32
    %mul3A_573 = arith.muli %arg0, %mul3A_572 : i32
    %add3A_574 = arith.constant 4 : i32
    %add3A_575 = arith.addi %mul3A_573, %add3A_574 : i32
    %mul3A_576 = arith.constant 511 : i32
    %mul3A_577 = arith.muli %mul3A_576, %add3A_575 : i32
    %sub3A_578 = arith.constant 1 : i32
    %sub3A_579 = arith.subi %add3A_575, %sub3A_578 : i32
    %mul3A_580 = arith.muli %add3A_575, %sub3A_579 : i32
    %jit3A_581 = arith.constant 2 : i32
    %div3A_582 = arith.divsi %mul3A_580, %jit3A_581 : i32
    %sign3A_583 = arith.constant 0 : i32
    %sign3A_584 = arith.cmpi sgt, %mul3A_580, %sign3A_583 : i32
    %sign3A_585 = arith.extui %sign3A_584 : i1 to i32
    %sign3A_586 = arith.constant 0 : i32
    %sign3A_587 = arith.cmpi slt, %mul3A_580, %sign3A_586 : i32
    %sign3A_588 = arith.extui %sign3A_587 : i1 to i32
    %sign3A_589 = arith.subi %sign3A_585, %sign3A_588 : i32
    %sign3A_590 = arith.constant 0 : i32
    %sign3A_591 = arith.cmpi sgt, %jit3A_581, %sign3A_590 : i32
    %sign3A_592 = arith.extui %sign3A_591 : i1 to i32
    %sign3A_593 = arith.constant 0 : i32
    %sign3A_594 = arith.cmpi slt, %jit3A_581, %sign3A_593 : i32
    %sign3A_595 = arith.extui %sign3A_594 : i1 to i32
    %sign3A_596 = arith.subi %sign3A_592, %sign3A_595 : i32
    %ne3A_597 = arith.cmpi ne, %sign3A_589, %sign3A_596 : i32
    %rem3A_598 = arith.remsi %mul3A_580, %jit3A_581 : i32
    %ne3A_599 = arith.constant 0 : i32
    %ne3A_600 = arith.cmpi ne, %rem3A_598, %ne3A_599 : i32
    %and3A_601 = arith.andi %ne3A_597, %ne3A_600 : i1
    %sub3A_602 = arith.constant 1 : i32
    %sub3A_603 = arith.subi %div3A_582, %sub3A_602 : i32
    %select_n3A_604 = arith.select %and3A_601, %sub3A_603, %div3A_582 : i32
    %sub3A_605 = arith.subi %mul3A_577, %select_n3A_604 : i32
    %sub3A_606 = arith.subi %sub3A_605, %add3A_575 : i32
    %sub3A_607 = arith.constant 1 : i32
    %sub3A_608 = arith.subi %sub3A_606, %sub3A_607 : i32
    %sub3A_609 = arith.subi %sub3A_608, %multiple_of3A_150 : i32
    %jit3A_610 = arith.constant 128 : i32
    %div3A_611 = arith.divsi %sub3A_609, %jit3A_610 : i32
    %sign3A_612 = arith.constant 0 : i32
    %sign3A_613 = arith.cmpi sgt, %sub3A_609, %sign3A_612 : i32
    %sign3A_614 = arith.extui %sign3A_613 : i1 to i32
    %sign3A_615 = arith.constant 0 : i32
    %sign3A_616 = arith.cmpi slt, %sub3A_609, %sign3A_615 : i32
    %sign3A_617 = arith.extui %sign3A_616 : i1 to i32
    %sign3A_618 = arith.subi %sign3A_614, %sign3A_617 : i32
    %sign3A_619 = arith.constant 0 : i32
    %sign3A_620 = arith.cmpi sgt, %jit3A_610, %sign3A_619 : i32
    %sign3A_621 = arith.extui %sign3A_620 : i1 to i32
    %sign3A_622 = arith.constant 0 : i32
    %sign3A_623 = arith.cmpi slt, %jit3A_610, %sign3A_622 : i32
    %sign3A_624 = arith.extui %sign3A_623 : i1 to i32
    %sign3A_625 = arith.subi %sign3A_621, %sign3A_624 : i32
    %ne3A_626 = arith.cmpi ne, %sign3A_618, %sign3A_625 : i32
    %rem3A_627 = arith.remsi %sub3A_609, %jit3A_610 : i32
    %ne3A_628 = arith.constant 0 : i32
    %ne3A_629 = arith.cmpi ne, %rem3A_627, %ne3A_628 : i32
    %and3A_630 = arith.andi %ne3A_626, %ne3A_629 : i1
    %sub3A_631 = arith.constant 1 : i32
    %sub3A_632 = arith.subi %div3A_611, %sub3A_631 : i32
    %select_n3A_633 = arith.select %and3A_630, %sub3A_632, %div3A_611 : i32
    %mul3A_634 = arith.constant 128 : i32
    %mul3A_635 = arith.muli %select_n3A_633, %mul3A_634 : i32
    %jit3A_636 = arith.constant 0 : i32
    %jit3A_637 = arith.constant 3584 : i32
    %max3A_638 = arith.maxsi %jit3A_636, %mul3A_635 : i32
    %min3A_639 = arith.minsi %jit3A_637, %max3A_638 : i32
    %multiple_of3A_640 = tpu.assume_multiple %min3A_639, 128 : i32
    %sub3A_641 = arith.subi %sub3A_609, %multiple_of3A_640 : i32
    %get3A_642 = arith.constant 0 : index
    %get3A_643 = arith.index_cast %multiple_of3A_640 : i32 to index
    %get3A_644 = vector.load %arg31[%get3A_642, %get3A_643] : memref<1x4224xf32, #tpu.memory_space<vmem>>, vector<1x640xf32>
    %get3A_645 = arith.index_cast %rem3A_6 : i32 to index
    %get3A_646 = arith.index_cast %multiple_of3A_640 : i32 to index
    %get3A_647 = vector.load %arg30[%get3A_645, %get3A_646] : memref<2x4224xf32, #tpu.memory_space<vmem>>, vector<1x640xf32>
    %get3A_648 = vector.shape_cast %get3A_647 : vector<1x640xf32> to vector<640xf32>
    %reshape3A_649 = vector.shape_cast %get3A_648 : vector<640xf32> to vector<1x640xf32>
    %add3A_650 = arith.addf %get3A_644, %reshape3A_649 : vector<1x640xf32>
    %neg3A_651 = arith.constant 0 : i32
    %neg3A_652 = arith.subi %neg3A_651, %sub3A_641 : i32
    %jit3A_653 = arith.constant 640 : i32
    %eq3A_654 = arith.constant 0 : i32
    %eq3A_655 = arith.cmpi eq, %jit3A_653, %eq3A_654 : i32
    %jit3A_656 = arith.constant 1 : i32
    %select_n3A_657 = arith.select %eq3A_655, %jit3A_656, %jit3A_653 : i32
    %rem3A_658 = arith.remsi %neg3A_652, %select_n3A_657 : i32
    %ne3A_659 = arith.constant 0 : i32
    %ne3A_660 = arith.cmpi ne, %rem3A_658, %ne3A_659 : i32
    %lt3A_661 = arith.constant 0 : i32
    %lt3A_662 = arith.cmpi slt, %rem3A_658, %lt3A_661 : i32
    %lt3A_663 = arith.constant 0 : i32
    %lt3A_664 = arith.cmpi slt, %select_n3A_657, %lt3A_663 : i32
    %ne3A_665 = arith.xori %lt3A_662, %lt3A_664 : i1
    %and3A_666 = arith.andi %ne3A_665, %ne3A_660 : i1
    %add3A_667 = arith.addi %rem3A_658, %select_n3A_657 : i32
    %select_n3A_668 = arith.select %and3A_666, %add3A_667, %rem3A_658 : i32
    %roll3A_669 = tpu.dynamic_rotate %add3A_650 by %select_n3A_668 dim 1 : vector<1x640xf32>, i32 -> vector<1x640xf32>
    %gt3A_670 = vector.broadcast %add3A_575 : i32 to vector<1x512xi32>
    %gt3A_671 = arith.cmpi sgt, %iota3A, %gt3A_670 : vector<1x512xi32>
    %slice3A_672 = vector.extract_strided_slice %roll3A_669 {offsets = [0, 0], sizes = [1, 512], strides = [1, 1]} : vector<1x640xf32> to vector<1x512xf32>
    %jit3A_673 = arith.constant 0.000000e+00 : f32
    %broadcast_in_dim3A_674 = vector.broadcast %jit3A_673 : f32 to vector<1x512xf32>
    %select_n3A_675 = arith.select %gt3A_671, %slice3A_672, %broadcast_in_dim3A_674 : vector<1x512xi1>, vector<1x512xf32>
    %swap3A_676 = arith.index_cast %add3A_575 : i32 to index
    %swap3A_677 = arith.constant 0 : index
    %swap3A_678 = vector.load %arg28[%swap3A_676, %swap3A_677] : memref<512x512xf32, #tpu.memory_space<vmem>>, vector<1x512xf32>
    tpu.vector_store %arg28[%swap3A_676, %swap3A_677], %select_n3A_675 {strides = array<i32>} : memref<512x512xf32, #tpu.memory_space<vmem>>, vector<1x512xf32>,
    %mul3A_679 = arith.constant 8 : i32
    %mul3A_680 = arith.muli %arg0, %mul3A_679 : i32
    %add3A_681 = arith.constant 5 : i32
    %add3A_682 = arith.addi %mul3A_680, %add3A_681 : i32
    %mul3A_683 = arith.constant 511 : i32
    %mul3A_684 = arith.muli %mul3A_683, %add3A_682 : i32
    %sub3A_685 = arith.constant 1 : i32
    %sub3A_686 = arith.subi %add3A_682, %sub3A_685 : i32
    %mul3A_687 = arith.muli %add3A_682, %sub3A_686 : i32
    %jit3A_688 = arith.constant 2 : i32
    %div3A_689 = arith.divsi %mul3A_687, %jit3A_688 : i32
    %sign3A_690 = arith.constant 0 : i32
    %sign3A_691 = arith.cmpi sgt, %mul3A_687, %sign3A_690 : i32
    %sign3A_692 = arith.extui %sign3A_691 : i1 to i32
    %sign3A_693 = arith.constant 0 : i32
    %sign3A_694 = arith.cmpi slt, %mul3A_687, %sign3A_693 : i32
    %sign3A_695 = arith.extui %sign3A_694 : i1 to i32
    %sign3A_696 = arith.subi %sign3A_692, %sign3A_695 : i32
    %sign3A_697 = arith.constant 0 : i32
    %sign3A_698 = arith.cmpi sgt, %jit3A_688, %sign3A_697 : i32
    %sign3A_699 = arith.extui %sign3A_698 : i1 to i32
    %sign3A_700 = arith.constant 0 : i32
    %sign3A_701 = arith.cmpi slt, %jit3A_688, %sign3A_700 : i32
    %sign3A_702 = arith.extui %sign3A_701 : i1 to i32
    %sign3A_703 = arith.subi %sign3A_699, %sign3A_702 : i32
    %ne3A_704 = arith.cmpi ne, %sign3A_696, %sign3A_703 : i32
    %rem3A_705 = arith.remsi %mul3A_687, %jit3A_688 : i32
    %ne3A_706 = arith.constant 0 : i32
    %ne3A_707 = arith.cmpi ne, %rem3A_705, %ne3A_706 : i32
    %and3A_708 = arith.andi %ne3A_704, %ne3A_707 : i1
    %sub3A_709 = arith.constant 1 : i32
    %sub3A_710 = arith.subi %div3A_689, %sub3A_709 : i32
    %select_n3A_711 = arith.select %and3A_708, %sub3A_710, %div3A_689 : i32
    %sub3A_712 = arith.subi %mul3A_684, %select_n3A_711 : i32
    %sub3A_713 = arith.subi %sub3A_712, %add3A_682 : i32
    %sub3A_714 = arith.constant 1 : i32
    %sub3A_715 = arith.subi %sub3A_713, %sub3A_714 : i32
    %sub3A_716 = arith.subi %sub3A_715, %multiple_of3A_150 : i32
    %jit3A_717 = arith.constant 128 : i32
    %div3A_718 = arith.divsi %sub3A_716, %jit3A_717 : i32
    %sign3A_719 = arith.constant 0 : i32
    %sign3A_720 = arith.cmpi sgt, %sub3A_716, %sign3A_719 : i32
    %sign3A_721 = arith.extui %sign3A_720 : i1 to i32
    %sign3A_722 = arith.constant 0 : i32
    %sign3A_723 = arith.cmpi slt, %sub3A_716, %sign3A_722 : i32
    %sign3A_724 = arith.extui %sign3A_723 : i1 to i32
    %sign3A_725 = arith.subi %sign3A_721, %sign3A_724 : i32
    %sign3A_726 = arith.constant 0 : i32
    %sign3A_727 = arith.cmpi sgt, %jit3A_717, %sign3A_726 : i32
    %sign3A_728 = arith.extui %sign3A_727 : i1 to i32
    %sign3A_729 = arith.constant 0 : i32
    %sign3A_730 = arith.cmpi slt, %jit3A_717, %sign3A_729 : i32
    %sign3A_731 = arith.extui %sign3A_730 : i1 to i32
    %sign3A_732 = arith.subi %sign3A_728, %sign3A_731 : i32
    %ne3A_733 = arith.cmpi ne, %sign3A_725, %sign3A_732 : i32
    %rem3A_734 = arith.remsi %sub3A_716, %jit3A_717 : i32
    %ne3A_735 = arith.constant 0 : i32
    %ne3A_736 = arith.cmpi ne, %rem3A_734, %ne3A_735 : i32
    %and3A_737 = arith.andi %ne3A_733, %ne3A_736 : i1
    %sub3A_738 = arith.constant 1 : i32
    %sub3A_739 = arith.subi %div3A_718, %sub3A_738 : i32
    %select_n3A_740 = arith.select %and3A_737, %sub3A_739, %div3A_718 : i32
    %mul3A_741 = arith.constant 128 : i32
    %mul3A_742 = arith.muli %select_n3A_740, %mul3A_741 : i32
    %jit3A_743 = arith.constant 0 : i32
    %jit3A_744 = arith.constant 3584 : i32
    %max3A_745 = arith.maxsi %jit3A_743, %mul3A_742 : i32
    %min3A_746 = arith.minsi %jit3A_744, %max3A_745 : i32
    %multiple_of3A_747 = tpu.assume_multiple %min3A_746, 128 : i32
    %sub3A_748 = arith.subi %sub3A_716, %multiple_of3A_747 : i32
    %get3A_749 = arith.constant 0 : index
    %get3A_750 = arith.index_cast %multiple_of3A_747 : i32 to index
    %get3A_751 = vector.load %arg31[%get3A_749, %get3A_750] : memref<1x4224xf32, #tpu.memory_space<vmem>>, vector<1x640xf32>
    %get3A_752 = arith.index_cast %rem3A_6 : i32 to index
    %get3A_753 = arith.index_cast %multiple_of3A_747 : i32 to index
    %get3A_754 = vector.load %arg30[%get3A_752, %get3A_753] : memref<2x4224xf32, #tpu.memory_space<vmem>>, vector<1x640xf32>
    %get3A_755 = vector.shape_cast %get3A_754 : vector<1x640xf32> to vector<640xf32>
    %reshape3A_756 = vector.shape_cast %get3A_755 : vector<640xf32> to vector<1x640xf32>
    %add3A_757 = arith.addf %get3A_751, %reshape3A_756 : vector<1x640xf32>
    %neg3A_758 = arith.constant 0 : i32
    %neg3A_759 = arith.subi %neg3A_758, %sub3A_748 : i32
    %jit3A_760 = arith.constant 640 : i32
    %eq3A_761 = arith.constant 0 : i32
    %eq3A_762 = arith.cmpi eq, %jit3A_760, %eq3A_761 : i32
    %jit3A_763 = arith.constant 1 : i32
    %select_n3A_764 = arith.select %eq3A_762, %jit3A_763, %jit3A_760 : i32
    %rem3A_765 = arith.remsi %neg3A_759, %select_n3A_764 : i32
    %ne3A_766 = arith.constant 0 : i32
    %ne3A_767 = arith.cmpi ne, %rem3A_765, %ne3A_766 : i32
    %lt3A_768 = arith.constant 0 : i32
    %lt3A_769 = arith.cmpi slt, %rem3A_765, %lt3A_768 : i32
    %lt3A_770 = arith.constant 0 : i32
    %lt3A_771 = arith.cmpi slt, %select_n3A_764, %lt3A_770 : i32
    %ne3A_772 = arith.xori %lt3A_769, %lt3A_771 : i1
    %and3A_773 = arith.andi %ne3A_772, %ne3A_767 : i1
    %add3A_774 = arith.addi %rem3A_765, %select_n3A_764 : i32
    %select_n3A_775 = arith.select %and3A_773, %add3A_774, %rem3A_765 : i32
    %roll3A_776 = tpu.dynamic_rotate %add3A_757 by %select_n3A_775 dim 1 : vector<1x640xf32>, i32 -> vector<1x640xf32>
    %gt3A_777 = vector.broadcast %add3A_682 : i32 to vector<1x512xi32>
    %gt3A_778 = arith.cmpi sgt, %iota3A, %gt3A_777 : vector<1x512xi32>
    %slice3A_779 = vector.extract_strided_slice %roll3A_776 {offsets = [0, 0], sizes = [1, 512], strides = [1, 1]} : vector<1x640xf32> to vector<1x512xf32>
    %jit3A_780 = arith.constant 0.000000e+00 : f32
    %broadcast_in_dim3A_781 = vector.broadcast %jit3A_780 : f32 to vector<1x512xf32>
    %select_n3A_782 = arith.select %gt3A_778, %slice3A_779, %broadcast_in_dim3A_781 : vector<1x512xi1>, vector<1x512xf32>
    %swap3A_783 = arith.index_cast %add3A_682 : i32 to index
    %swap3A_784 = arith.constant 0 : index
    %swap3A_785 = vector.load %arg28[%swap3A_783, %swap3A_784] : memref<512x512xf32, #tpu.memory_space<vmem>>, vector<1x512xf32>
    tpu.vector_store %arg28[%swap3A_783, %swap3A_784], %select_n3A_782 {strides = array<i32>} : memref<512x512xf32, #tpu.memory_space<vmem>>, vector<1x512xf32>,
    %mul3A_786 = arith.constant 8 : i32
    %mul3A_787 = arith.muli %arg0, %mul3A_786 : i32
    %add3A_788 = arith.constant 6 : i32
    %add3A_789 = arith.addi %mul3A_787, %add3A_788 : i32
    %mul3A_790 = arith.constant 511 : i32
    %mul3A_791 = arith.muli %mul3A_790, %add3A_789 : i32
    %sub3A_792 = arith.constant 1 : i32
    %sub3A_793 = arith.subi %add3A_789, %sub3A_792 : i32
    %mul3A_794 = arith.muli %add3A_789, %sub3A_793 : i32
    %jit3A_795 = arith.constant 2 : i32
    %div3A_796 = arith.divsi %mul3A_794, %jit3A_795 : i32
    %sign3A_797 = arith.constant 0 : i32
    %sign3A_798 = arith.cmpi sgt, %mul3A_794, %sign3A_797 : i32
    %sign3A_799 = arith.extui %sign3A_798 : i1 to i32
    %sign3A_800 = arith.constant 0 : i32
    %sign3A_801 = arith.cmpi slt, %mul3A_794, %sign3A_800 : i32
    %sign3A_802 = arith.extui %sign3A_801 : i1 to i32
    %sign3A_803 = arith.subi %sign3A_799, %sign3A_802 : i32
    %sign3A_804 = arith.constant 0 : i32
    %sign3A_805 = arith.cmpi sgt, %jit3A_795, %sign3A_804 : i32
    %sign3A_806 = arith.extui %sign3A_805 : i1 to i32
    %sign3A_807 = arith.constant 0 : i32
    %sign3A_808 = arith.cmpi slt, %jit3A_795, %sign3A_807 : i32
    %sign3A_809 = arith.extui %sign3A_808 : i1 to i32
    %sign3A_810 = arith.subi %sign3A_806, %sign3A_809 : i32
    %ne3A_811 = arith.cmpi ne, %sign3A_803, %sign3A_810 : i32
    %rem3A_812 = arith.remsi %mul3A_794, %jit3A_795 : i32
    %ne3A_813 = arith.constant 0 : i32
    %ne3A_814 = arith.cmpi ne, %rem3A_812, %ne3A_813 : i32
    %and3A_815 = arith.andi %ne3A_811, %ne3A_814 : i1
    %sub3A_816 = arith.constant 1 : i32
    %sub3A_817 = arith.subi %div3A_796, %sub3A_816 : i32
    %select_n3A_818 = arith.select %and3A_815, %sub3A_817, %div3A_796 : i32
    %sub3A_819 = arith.subi %mul3A_791, %select_n3A_818 : i32
    %sub3A_820 = arith.subi %sub3A_819, %add3A_789 : i32
    %sub3A_821 = arith.constant 1 : i32
    %sub3A_822 = arith.subi %sub3A_820, %sub3A_821 : i32
    %sub3A_823 = arith.subi %sub3A_822, %multiple_of3A_150 : i32
    %jit3A_824 = arith.constant 128 : i32
    %div3A_825 = arith.divsi %sub3A_823, %jit3A_824 : i32
    %sign3A_826 = arith.constant 0 : i32
    %sign3A_827 = arith.cmpi sgt, %sub3A_823, %sign3A_826 : i32
    %sign3A_828 = arith.extui %sign3A_827 : i1 to i32
    %sign3A_829 = arith.constant 0 : i32
    %sign3A_830 = arith.cmpi slt, %sub3A_823, %sign3A_829 : i32
    %sign3A_831 = arith.extui %sign3A_830 : i1 to i32
    %sign3A_832 = arith.subi %sign3A_828, %sign3A_831 : i32
    %sign3A_833 = arith.constant 0 : i32
    %sign3A_834 = arith.cmpi sgt, %jit3A_824, %sign3A_833 : i32
    %sign3A_835 = arith.extui %sign3A_834 : i1 to i32
    %sign3A_836 = arith.constant 0 : i32
    %sign3A_837 = arith.cmpi slt, %jit3A_824, %sign3A_836 : i32
    %sign3A_838 = arith.extui %sign3A_837 : i1 to i32
    %sign3A_839 = arith.subi %sign3A_835, %sign3A_838 : i32
    %ne3A_840 = arith.cmpi ne, %sign3A_832, %sign3A_839 : i32
    %rem3A_841 = arith.remsi %sub3A_823, %jit3A_824 : i32
    %ne3A_842 = arith.constant 0 : i32
    %ne3A_843 = arith.cmpi ne, %rem3A_841, %ne3A_842 : i32
    %and3A_844 = arith.andi %ne3A_840, %ne3A_843 : i1
    %sub3A_845 = arith.constant 1 : i32
    %sub3A_846 = arith.subi %div3A_825, %sub3A_845 : i32
    %select_n3A_847 = arith.select %and3A_844, %sub3A_846, %div3A_825 : i32
    %mul3A_848 = arith.constant 128 : i32
    %mul3A_849 = arith.muli %select_n3A_847, %mul3A_848 : i32
    %jit3A_850 = arith.constant 0 : i32
    %jit3A_851 = arith.constant 3584 : i32
    %max3A_852 = arith.maxsi %jit3A_850, %mul3A_849 : i32
    %min3A_853 = arith.minsi %jit3A_851, %max3A_852 : i32
    %multiple_of3A_854 = tpu.assume_multiple %min3A_853, 128 : i32
    %sub3A_855 = arith.subi %sub3A_823, %multiple_of3A_854 : i32
    %get3A_856 = arith.constant 0 : index
    %get3A_857 = arith.index_cast %multiple_of3A_854 : i32 to index
    %get3A_858 = vector.load %arg31[%get3A_856, %get3A_857] : memref<1x4224xf32, #tpu.memory_space<vmem>>, vector<1x640xf32>
    %get3A_859 = arith.index_cast %rem3A_6 : i32 to index
    %get3A_860 = arith.index_cast %multiple_of3A_854 : i32 to index
    %get3A_861 = vector.load %arg30[%get3A_859, %get3A_860] : memref<2x4224xf32, #tpu.memory_space<vmem>>, vector<1x640xf32>
    %get3A_862 = vector.shape_cast %get3A_861 : vector<1x640xf32> to vector<640xf32>
    %reshape3A_863 = vector.shape_cast %get3A_862 : vector<640xf32> to vector<1x640xf32>
    %add3A_864 = arith.addf %get3A_858, %reshape3A_863 : vector<1x640xf32>
    %neg3A_865 = arith.constant 0 : i32
    %neg3A_866 = arith.subi %neg3A_865, %sub3A_855 : i32
    %jit3A_867 = arith.constant 640 : i32
    %eq3A_868 = arith.constant 0 : i32
    %eq3A_869 = arith.cmpi eq, %jit3A_867, %eq3A_868 : i32
    %jit3A_870 = arith.constant 1 : i32
    %select_n3A_871 = arith.select %eq3A_869, %jit3A_870, %jit3A_867 : i32
    %rem3A_872 = arith.remsi %neg3A_866, %select_n3A_871 : i32
    %ne3A_873 = arith.constant 0 : i32
    %ne3A_874 = arith.cmpi ne, %rem3A_872, %ne3A_873 : i32
    %lt3A_875 = arith.constant 0 : i32
    %lt3A_876 = arith.cmpi slt, %rem3A_872, %lt3A_875 : i32
    %lt3A_877 = arith.constant 0 : i32
    %lt3A_878 = arith.cmpi slt, %select_n3A_871, %lt3A_877 : i32
    %ne3A_879 = arith.xori %lt3A_876, %lt3A_878 : i1
    %and3A_880 = arith.andi %ne3A_879, %ne3A_874 : i1
    %add3A_881 = arith.addi %rem3A_872, %select_n3A_871 : i32
    %select_n3A_882 = arith.select %and3A_880, %add3A_881, %rem3A_872 : i32
    %roll3A_883 = tpu.dynamic_rotate %add3A_864 by %select_n3A_882 dim 1 : vector<1x640xf32>, i32 -> vector<1x640xf32>
    %gt3A_884 = vector.broadcast %add3A_789 : i32 to vector<1x512xi32>
    %gt3A_885 = arith.cmpi sgt, %iota3A, %gt3A_884 : vector<1x512xi32>
    %slice3A_886 = vector.extract_strided_slice %roll3A_883 {offsets = [0, 0], sizes = [1, 512], strides = [1, 1]} : vector<1x640xf32> to vector<1x512xf32>
    %jit3A_887 = arith.constant 0.000000e+00 : f32
    %broadcast_in_dim3A_888 = vector.broadcast %jit3A_887 : f32 to vector<1x512xf32>
    %select_n3A_889 = arith.select %gt3A_885, %slice3A_886, %broadcast_in_dim3A_888 : vector<1x512xi1>, vector<1x512xf32>
    %swap3A_890 = arith.index_cast %add3A_789 : i32 to index
    %swap3A_891 = arith.constant 0 : index
    %swap3A_892 = vector.load %arg28[%swap3A_890, %swap3A_891] : memref<512x512xf32, #tpu.memory_space<vmem>>, vector<1x512xf32>
    tpu.vector_store %arg28[%swap3A_890, %swap3A_891], %select_n3A_889 {strides = array<i32>} : memref<512x512xf32, #tpu.memory_space<vmem>>, vector<1x512xf32>,
    %mul3A_893 = arith.constant 8 : i32
    %mul3A_894 = arith.muli %arg0, %mul3A_893 : i32
    %add3A_895 = arith.constant 7 : i32
    %add3A_896 = arith.addi %mul3A_894, %add3A_895 : i32
    %mul3A_897 = arith.constant 511 : i32
    %mul3A_898 = arith.muli %mul3A_897, %add3A_896 : i32
    %sub3A_899 = arith.constant 1 : i32
    %sub3A_900 = arith.subi %add3A_896, %sub3A_899 : i32
    %mul3A_901 = arith.muli %add3A_896, %sub3A_900 : i32
    %jit3A_902 = arith.constant 2 : i32
    %div3A_903 = arith.divsi %mul3A_901, %jit3A_902 : i32
    %sign3A_904 = arith.constant 0 : i32
    %sign3A_905 = arith.cmpi sgt, %mul3A_901, %sign3A_904 : i32
    %sign3A_906 = arith.extui %sign3A_905 : i1 to i32
    %sign3A_907 = arith.constant 0 : i32
    %sign3A_908 = arith.cmpi slt, %mul3A_901, %sign3A_907 : i32
    %sign3A_909 = arith.extui %sign3A_908 : i1 to i32
    %sign3A_910 = arith.subi %sign3A_906, %sign3A_909 : i32
    %sign3A_911 = arith.constant 0 : i32
    %sign3A_912 = arith.cmpi sgt, %jit3A_902, %sign3A_911 : i32
    %sign3A_913 = arith.extui %sign3A_912 : i1 to i32
    %sign3A_914 = arith.constant 0 : i32
    %sign3A_915 = arith.cmpi slt, %jit3A_902, %sign3A_914 : i32
    %sign3A_916 = arith.extui %sign3A_915 : i1 to i32
    %sign3A_917 = arith.subi %sign3A_913, %sign3A_916 : i32
    %ne3A_918 = arith.cmpi ne, %sign3A_910, %sign3A_917 : i32
    %rem3A_919 = arith.remsi %mul3A_901, %jit3A_902 : i32
    %ne3A_920 = arith.constant 0 : i32
    %ne3A_921 = arith.cmpi ne, %rem3A_919, %ne3A_920 : i32
    %and3A_922 = arith.andi %ne3A_918, %ne3A_921 : i1
    %sub3A_923 = arith.constant 1 : i32
    %sub3A_924 = arith.subi %div3A_903, %sub3A_923 : i32
    %select_n3A_925 = arith.select %and3A_922, %sub3A_924, %div3A_903 : i32
    %sub3A_926 = arith.subi %mul3A_898, %select_n3A_925 : i32
    %sub3A_927 = arith.subi %sub3A_926, %add3A_896 : i32
    %sub3A_928 = arith.constant 1 : i32
    %sub3A_929 = arith.subi %sub3A_927, %sub3A_928 : i32
    %sub3A_930 = arith.subi %sub3A_929, %multiple_of3A_150 : i32
    %jit3A_931 = arith.constant 128 : i32
    %div3A_932 = arith.divsi %sub3A_930, %jit3A_931 : i32
    %sign3A_933 = arith.constant 0 : i32
    %sign3A_934 = arith.cmpi sgt, %sub3A_930, %sign3A_933 : i32
    %sign3A_935 = arith.extui %sign3A_934 : i1 to i32
    %sign3A_936 = arith.constant 0 : i32
    %sign3A_937 = arith.cmpi slt, %sub3A_930, %sign3A_936 : i32
    %sign3A_938 = arith.extui %sign3A_937 : i1 to i32
    %sign3A_939 = arith.subi %sign3A_935, %sign3A_938 : i32
    %sign3A_940 = arith.constant 0 : i32
    %sign3A_941 = arith.cmpi sgt, %jit3A_931, %sign3A_940 : i32
    %sign3A_942 = arith.extui %sign3A_941 : i1 to i32
    %sign3A_943 = arith.constant 0 : i32
    %sign3A_944 = arith.cmpi slt, %jit3A_931, %sign3A_943 : i32
    %sign3A_945 = arith.extui %sign3A_944 : i1 to i32
    %sign3A_946 = arith.subi %sign3A_942, %sign3A_945 : i32
    %ne3A_947 = arith.cmpi ne, %sign3A_939, %sign3A_946 : i32
    %rem3A_948 = arith.remsi %sub3A_930, %jit3A_931 : i32
    %ne3A_949 = arith.constant 0 : i32
    %ne3A_950 = arith.cmpi ne, %rem3A_948, %ne3A_949 : i32
    %and3A_951 = arith.andi %ne3A_947, %ne3A_950 : i1
    %sub3A_952 = arith.constant 1 : i32
    %sub3A_953 = arith.subi %div3A_932, %sub3A_952 : i32
    %select_n3A_954 = arith.select %and3A_951, %sub3A_953, %div3A_932 : i32
    %mul3A_955 = arith.constant 128 : i32
    %mul3A_956 = arith.muli %select_n3A_954, %mul3A_955 : i32
    %jit3A_957 = arith.constant 0 : i32
    %jit3A_958 = arith.constant 3584 : i32
    %max3A_959 = arith.maxsi %jit3A_957, %mul3A_956 : i32
    %min3A_960 = arith.minsi %jit3A_958, %max3A_959 : i32
    %multiple_of3A_961 = tpu.assume_multiple %min3A_960, 128 : i32
    %sub3A_962 = arith.subi %sub3A_930, %multiple_of3A_961 : i32
    %get3A_963 = arith.constant 0 : index
    %get3A_964 = arith.index_cast %multiple_of3A_961 : i32 to index
    %get3A_965 = vector.load %arg31[%get3A_963, %get3A_964] : memref<1x4224xf32, #tpu.memory_space<vmem>>, vector<1x640xf32>
    %get3A_966 = arith.index_cast %rem3A_6 : i32 to index
    %get3A_967 = arith.index_cast %multiple_of3A_961 : i32 to index
    %get3A_968 = vector.load %arg30[%get3A_966, %get3A_967] : memref<2x4224xf32, #tpu.memory_space<vmem>>, vector<1x640xf32>
    %get3A_969 = vector.shape_cast %get3A_968 : vector<1x640xf32> to vector<640xf32>
    %reshape3A_970 = vector.shape_cast %get3A_969 : vector<640xf32> to vector<1x640xf32>
    %add3A_971 = arith.addf %get3A_965, %reshape3A_970 : vector<1x640xf32>
    %neg3A_972 = arith.constant 0 : i32
    %neg3A_973 = arith.subi %neg3A_972, %sub3A_962 : i32
    %jit3A_974 = arith.constant 640 : i32
    %eq3A_975 = arith.constant 0 : i32
    %eq3A_976 = arith.cmpi eq, %jit3A_974, %eq3A_975 : i32
    %jit3A_977 = arith.constant 1 : i32
    %select_n3A_978 = arith.select %eq3A_976, %jit3A_977, %jit3A_974 : i32
    %rem3A_979 = arith.remsi %neg3A_973, %select_n3A_978 : i32
    %ne3A_980 = arith.constant 0 : i32
    %ne3A_981 = arith.cmpi ne, %rem3A_979, %ne3A_980 : i32
    %lt3A_982 = arith.constant 0 : i32
    %lt3A_983 = arith.cmpi slt, %rem3A_979, %lt3A_982 : i32
    %lt3A_984 = arith.constant 0 : i32
    %lt3A_985 = arith.cmpi slt, %select_n3A_978, %lt3A_984 : i32
    %ne3A_986 = arith.xori %lt3A_983, %lt3A_985 : i1
    %and3A_987 = arith.andi %ne3A_986, %ne3A_981 : i1
    %add3A_988 = arith.addi %rem3A_979, %select_n3A_978 : i32
    %select_n3A_989 = arith.select %and3A_987, %add3A_988, %rem3A_979 : i32
    %roll3A_990 = tpu.dynamic_rotate %add3A_971 by %select_n3A_989 dim 1 : vector<1x640xf32>, i32 -> vector<1x640xf32>
    %gt3A_991 = vector.broadcast %add3A_896 : i32 to vector<1x512xi32>
    %gt3A_992 = arith.cmpi sgt, %iota3A, %gt3A_991 : vector<1x512xi32>
    %slice3A_993 = vector.extract_strided_slice %roll3A_990 {offsets = [0, 0], sizes = [1, 512], strides = [1, 1]} : vector<1x640xf32> to vector<1x512xf32>
    %jit3A_994 = arith.constant 0.000000e+00 : f32
    %broadcast_in_dim3A_995 = vector.broadcast %jit3A_994 : f32 to vector<1x512xf32>
    %select_n3A_996 = arith.select %gt3A_992, %slice3A_993, %broadcast_in_dim3A_995 : vector<1x512xi1>, vector<1x512xf32>
    %swap3A_997 = arith.index_cast %add3A_896 : i32 to index
    %swap3A_998 = arith.constant 0 : index
    %swap3A_999 = vector.load %arg28[%swap3A_997, %swap3A_998] : memref<512x512xf32, #tpu.memory_space<vmem>>, vector<1x512xf32>
    tpu.vector_store %arg28[%swap3A_997, %swap3A_998], %select_n3A_996 {strides = array<i32>} : memref<512x512xf32, #tpu.memory_space<vmem>>, vector<1x512xf32>,
    %eq3A_1000 = arith.constant 63 : i32
    %eq3A_1001 = arith.cmpi eq, %arg0, %eq3A_1000 : i32
    %convert_element_type3A_1002 = arith.extui %eq3A_1001 : i1 to i32
    %cond3A_1003 = arith.constant 0 : i32
    %cond3A_1004 = arith.cmpi ne, %convert_element_type3A_1002, %cond3A_1003 : i32
    scf.if %cond3A_1004 {
      %get3A_1005 = arith.constant 0 : index
      %get3A_1006 = arith.constant 0 : index
      %get3A_1007 = vector.load %arg28[%get3A_1005, %get3A_1006] : memref<512x512xf32, #tpu.memory_space<vmem>>, vector<512x512xf32>
      %iota3A_1008 = tpu.iota {dimensions = array<i32: 0>} : vector<512x512xi32>
      %iota3A_1009 = tpu.iota {dimensions = array<i32: 1>} : vector<512x512xi32>
      %eq3A_1010 = arith.cmpi eq, %iota3A_1008, %iota3A_1009 : vector<512x512xi32>
      %get3A_1011 = arith.constant 0 : index
      %get3A_1012 = arith.constant 0 : index
      %get3A_1013 = vector.load %arg27[%get3A_1011, %get3A_1012] : memref<1x512xf32, #tpu.memory_space<vmem>>, vector<1x512xf32>
      %jit3A_1014 = arith.constant 0.000000e+00 : f32
      %broadcast_in_dim3A_1015 = vector.shape_cast %get3A_1013 : vector<1x512xf32> to vector<1x512xf32>
      %broadcast_in_dim3A_1016 = vector.broadcast %broadcast_in_dim3A_1015 : vector<1x512xf32> to vector<512x512xf32>
      %broadcast_in_dim3A_1017 = vector.broadcast %jit3A_1014 : f32 to vector<512x512xf32>
      %select_n3A_1018 = arith.select %eq3A_1010, %broadcast_in_dim3A_1016, %broadcast_in_dim3A_1017 : vector<512x512xi1>, vector<512x512xf32>
      %transpose3A = tpu.transpose %get3A_1007, [1, 0] : vector<512x512xf32> -> vector<512x512xf32>
      %add3A_1019 = arith.addf %get3A_1007, %transpose3A : vector<512x512xf32>
      %add3A_1020 = arith.addf %add3A_1019, %select_n3A_1018 : vector<512x512xf32>
      %swap3A_1021 = arith.constant 0 : index
      %swap3A_1022 = arith.constant 0 : index
      %swap3A_1023 = vector.load %arg25[%swap3A_1021, %swap3A_1022] : memref<512x512xf32, #tpu.memory_space<vmem>>, vector<512x512xf32>
      tpu.vector_store %arg25[%swap3A_1021, %swap3A_1022], %add3A_1020 {strides = array<i32>} : memref<512x512xf32, #tpu.memory_space<vmem>>, vector<512x512xf32>,
    } else {
    }
    return
  }
  func.func @transform_0(%arg0: i32) -> (i32, i32, i32) {
    %c0_i32 = arith.constant 0 : i32
    %c0_i32_0 = arith.constant 0 : i32
    %c0_i32_1 = arith.constant 0 : i32
    %c0_i32_2 = arith.constant 0 : i32
    return %c0_i32, %c0_i32_0, %c0_i32_1 : i32, i32, i32
  }
  func.func @transform_1(%arg0: i32) -> (i32, i32) {
    %c0_i32 = arith.constant 0 : i32
    %c0_i32_0 = arith.constant 0 : i32
    %c0_i32_1 = arith.constant 0 : i32
    return %c0_i32, %c0_i32_0 : i32, i32
  }
  func.func @transform_2(%arg0: i32) -> (i32, i32) {
    %c0_i32 = arith.constant 0 : i32
    %c0_i32_0 = arith.constant 0 : i32
    %c0_i32_1 = arith.constant 0 : i32
    return %c0_i32, %c0_i32_0 : i32, i32
  }
  func.func @transform_3(%arg0: i32) -> (i32, i32) {
    %c0_i32 = arith.constant 0 : i32
    %c0_i32_0 = arith.constant 0 : i32
    %c0_i32_1 = arith.constant 0 : i32
    return %c0_i32, %c0_i32_0 : i32, i32
  }
  func.func @transform_4(%arg0: i32) -> i32 {
    %c0_i32 = arith.constant 0 : i32
    %c0_i32_0 = arith.constant 0 : i32
    return %c0_i32 : i32
  }
  func.func @transform_5(%arg0: i32) -> i32 {
    %c0_i32 = arith.constant 0 : i32
    %c0_i32_0 = arith.constant 0 : i32
    return %c0_i32 : i32
  }
  func.func @transform_6(%arg0: i32) -> i32 {
    %c0_i32 = arith.constant 0 : i32
    %c0_i32_0 = arith.constant 0 : i32
    return %c0_i32 : i32
  }
  func.func @transform_7(%arg0: i32) -> (i32, i32) {
    %c0_i32 = arith.constant 0 : i32
    %c0_i32_0 = arith.constant 0 : i32
    %c0_i32_1 = arith.constant 0 : i32
    return %c0_i32, %c0_i32_0 : i32, i32
  }
  func.func @transform_8(%arg0: i32) -> i32 {
    %c0_i32 = arith.constant 0 : i32
    %c0_i32_0 = arith.constant 0 : i32
    return %c0_i32 : i32
  }
  func.func @transform_9(%arg0: i32) -> i32 {
    %c0_i32 = arith.constant 0 : i32
    %c0_i32_0 = arith.constant 0 : i32
    return %c0_i32 : i32
  }
  func.func @transform_10(%arg0: i32) -> i32 {
    %c0_i32 = arith.constant 0 : i32
    %c0_i32_0 = arith.constant 0 : i32
    return %c0_i32 : i32
  }
  func.func @transform_11(%arg0: i32) -> (i32, i32) {
    %c0_i32 = arith.constant 0 : i32
    %c0_i32_0 = arith.constant 0 : i32
    %c0_i32_1 = arith.constant 0 : i32
    return %c0_i32, %c0_i32_0 : i32, i32
  }
  func.func @transform_12(%arg0: i32) -> i32 {
    %c0_i32 = arith.constant 0 : i32
    %c0_i32_0 = arith.constant 0 : i32
    return %c0_i32 : i32
  }
  func.func @transform_13(%arg0: i32) -> (i32, i32) {
    %c0_i32 = arith.constant 0 : i32
    %c0_i32_0 = arith.constant 0 : i32
    %c0_i32_1 = arith.constant 0 : i32
    return %c0_i32, %c0_i32_0 : i32, i32
  }
  func.func @transform_14(%arg0: i32) -> i32 {
    %c0_i32 = arith.constant 0 : i32
    %c0_i32_0 = arith.constant 0 : i32
    return %c0_i32 : i32
  }
  func.func @transform_15(%arg0: i32) -> (i32, i32) {
    %c0_i32 = arith.constant 0 : i32
    %c0_i32_0 = arith.constant 0 : i32
    %c0_i32_1 = arith.constant 0 : i32
    return %c0_i32, %c0_i32_0 : i32, i32
  }
  func.func @transform_16(%arg0: i32) -> i32 {
    %c0_i32 = arith.constant 0 : i32
    %c0_i32_0 = arith.constant 0 : i32
    return %c0_i32 : i32
  }
  func.func @transform_17(%arg0: i32) -> (i32, i32) {
    %c0_i32 = arith.constant 0 : i32
    %c0_i32_0 = arith.constant 0 : i32
    %c0_i32_1 = arith.constant 0 : i32
    return %c0_i32, %c0_i32_0 : i32, i32
  }
  func.func @transform_18(%arg0: i32) -> i32 {
    %c0_i32 = arith.constant 0 : i32
    %c0_i32_0 = arith.constant 0 : i32
    return %c0_i32 : i32
  }
  func.func @transform_19(%arg0: i32) -> (i32, i32) {
    %c0_i32 = arith.constant 0 : i32
    %c0_i32_0 = arith.constant 0 : i32
    %c0_i32_1 = arith.constant 0 : i32
    return %c0_i32, %c0_i32_0 : i32, i32
  }
  func.func @transform_20(%arg0: i32) -> i32 {
    %c0_i32 = arith.constant 0 : i32
    %c0_i32_0 = arith.constant 0 : i32
    return %c0_i32 : i32
  }
  func.func @transform_21(%arg0: i32) -> (i32, i32) {
    %c0_i32 = arith.constant 0 : i32
    %c0_i32_0 = arith.constant 0 : i32
    %c0_i32_1 = arith.constant 0 : i32
    return %c0_i32, %c0_i32_0 : i32, i32
  }
  func.func @transform_24(%arg0: i32) -> (i32, i32) {
    %c0_i32 = arith.constant 0 : i32
    %c0_i32_0 = arith.constant 0 : i32
    %c0_i32_1 = arith.constant 0 : i32
    return %c0_i32, %c0_i32_0 : i32, i32
  }
}

</mosaic_0001>

<sc_bundles>
// kernel: kernel.4.cloned.1.call-start
scs
__scs_entry_jumppad:
0x0: {  	(pc) =	sbr.rel $0x88, $3  }
0x1: {  	(tag) =	ssettag $0x0;
	lr =	simm.s32 $0x1  }
0x2: {  	[smem:$0x3F89] =	sst lr;
	_ =	strace $0xD0000000  }
0x3: {  	_ = 	snop  }
0x4: {  	_ = 	snop  }
0x5: {  	_ = 	snop  }
0x6: {  	_ = 	snop  }
0x7: {  	_ = 	snop  }
__scs_overlays_trampoline_lowered:
0x8: {  	[smem:$0x3F98] =	sst s0  }
0x9: {  	[smem:$0x3F99] =	sst s1  }
0xa: {  	[smem:$0x3F9A] =	sst s2  }
0xb: {  	[smem:$0x3F9B] =	sst s3  }
0xc: {  	[smem:$0x3F9C] =	sst s4  }
0xd: {  	[smem:$0x3F9D] =	sst s5  }
0xe: {  	[smem:$0x3F9E] =	sst s6  }
0xf: {  	[smem:$0x3F9F] =	sst s7  }
0x10: {  	[smem:$0x3FA0] =	sst s8  }
0x11: {  	[smem:$0x3FA1] =	sst s9;
	s0 =	simm.s32 @!p0 $0x0  }
0x12: {  	s1 =	sld [smem:$0x3F87];
	s0 =	simm.s32 @p0 $0x1  }
0x13: {  	[smem:$0x3FA2] =	sst s0;
	s0 =	simm.s32 @!p1 $0x0  }
0x14: {  	s2 =	sld [smem:$0x3F86];
	s0 =	simm.s32 @p1 $0x1  }
0x15: {  	[smem:$0x3FA3] =	sst s0;
	s0 =	simm.s32 @!p2 $0x0  }
0x16: {  	s3 =	sld [smem:$0x3FDB];
	s0 =	simm.s32 @p2 $0x1  }
0x17: {  	s4 =	simm.s32 $0x1BF5;
	[smem:$0x3FA5] =	sst s0  }
0x18: {  	s0 =	sld [smem:$0x3F88];
	_ =	swait.ge [sflag:s4], $0x0  }
0x19: {  	s7 =	sld [smem:$0x3F89]  }
0x1a: {  	s8 =	sadd.s32 $0xFFFFE003, lr  }
0x1b: {  	s9 =	sadd.s32 $0xFFFFFEF7, lr;
	s5 =	simm.s32 $0xFFFFFFFF;
	p2 =	slt.u32 s8, $0xFFFFF086  }
0x1c: {  	p1 =	slt.u32 s9, $0xF7A;
	s5 =	simm.s32 @!p2 $0x0  }
0x1d: {  	s5 =	simm.s32 @p1 $0x1;
	p0 =	seq.s32 s7, s2  }
0x1e: {  	s7 =	smul.u32 @!p0 $0xF7A, s2;
	p2 =	seq.s32 @!p0 s5, $0x0  }
0x1f: {  	s9 =	smul.u32 $0xF7A, s1;
	s8 =	simm.s32 @!p0 $0x1BF5;
	p2 =	por !p2, p0  }
0x20: {  	[sflag:s8] =	ssyncset.s32 @!p0 $0xFFFFF086;
	s6 =	sadd.s32 @!p0 s3, s7;
	s7 =	simm.s32 @!p0 $0x108  }
0x21: {  	s3 =	sadd.s32 s3, s9;
	s6 =	sadd.s32 @!p0 $0x88, s6;
	s7 =	simm.s32 @p2 $0x1082  }
0x22: {  	[simem:s7], [sflag:s8] =	dma.local @!p0 [hbm:s6], $0xF7A  }
0x23: {  	s9 =	sor.u32 $0xD0000000, s2;
	s6 =	simm.s32 $0x108;
	_ =	swait.ge @!p0 [sflag:s8], $0x0  }
0x24: {  	s3 =	sadd.s32 $0x88, s3;
	s6 =	simm.s32 @!p1 $0x1082;
	[sflag:s4] =	ssyncset.s32 $0xFFFFF086  }
0x25: {  	[simem:s6], [sflag:s4] =	dma.local [hbm:s3], $0xF7A  }
0x26: {  	[smem:$0x3F89] =	sst s1;
	(tag) =	ssettag s2;
	_ =	strace s9  }
0x27: {  	s1 =	sld [smem:$0x3F99]  }
0x28: {  	s2 =	sld [smem:$0x3F9A]  }
0x29: {  	s4 =	sld [smem:$0x3F9C]  }
0x2a: {  	p0 =	seq.s32 s5, $0x0;
	s5 =	sld [smem:$0x3F9D]  }
0x2b: {  	s6 =	sld [smem:$0x3F9E]  }
0x2c: {  	s7 =	sld [smem:$0x3F9F]  }
0x2d: {  	s3 =	simm.s32 $0x108;
	s8 =	sld [smem:$0x3FA0]  }
0x2e: {  	s3 =	simm.s32 @!p0 $0x1082;
	s9 =	sld [smem:$0x3FA1]  }
0x2f: {  	lr =	sadd.s32 s0, s3;
	s0 =	sld [smem:$0x3F98]  }
0x30: {  	s3 =	sld [smem:$0x3F9B]  }
0x31: {  	[smem:$0x3FA4] =	sst s10  }
0x32: {  	s10 =	sld [smem:$0x3FA2];
	_ =	sdelay $0x3  }
0x33: {  	p0 =	seq.s32 s10, $0x1;
	s10 =	sld [smem:$0x3FA4];
	_ =	sdelay $0x3  }
0x34: {  	[smem:$0x3FA4] =	sst s10  }
0x35: {  	s10 =	sld [smem:$0x3FA3];
	_ =	sdelay $0x3  }
0x36: {  	p1 =	seq.s32 s10, $0x1;
	s10 =	sld [smem:$0x3FA4];
	_ =	sdelay $0x3  }
0x37: {  	[smem:$0x3FA4] =	sst s10  }
0x38: {  	s10 =	sld [smem:$0x3FA5]  }
0x39: {  	_ = 	snop;
	(pc) =	sbr.ind lr, $3  }
0x3a: {  	_ = 	snop  }
0x3b: {  	_ = 	snop  }
0x3c: {  	p2 =	seq.s32 s10, $0x1;
	s10 =	sld [smem:$0x3FA4]  }
0x3d: {  	_ =	shalt  }
0x3e: {  	_ =	shalt  }
0x3f: {  	_ =	shalt  }
0x40: {  	_ =	shalt  }
0x41: {  	_ =	shalt  }
0x42: {  	_ =	shalt  }
0x43: {  	_ =	shalt  }
0x44: {  	_ =	shalt  }
0x45: {  	_ =	shalt  }
0x46: {  	_ =	shalt  }
0x47: {  	_ =	shalt  }
0x48: {  	_ =	shalt  }
0x49: {  	_ =	shalt  }
0x4a: {  	_ =	shalt  }
0x4b: {  	_ =	shalt  }
0x4c: {  	_ =	shalt  }
0x4d: {  	_ =	shalt  }
0x4e: {  	_ =	shalt  }
0x4f: {  	_ =	shalt  }
0x50: {  	_ =	shalt  }
0x51: {  	_ =	shalt  }
0x52: {  	_ =	shalt  }
0x53: {  	_ =	shalt  }
0x54: {  	_ =	shalt  }
0x55: {  	_ =	shalt  }
0x56: {  	_ =	shalt  }
0x57: {  	_ =	shalt  }
0x58: {  	_ =	shalt  }
0x59: {  	_ =	shalt  }
0x5a: {  	_ =	shalt  }
0x5b: {  	_ =	shalt  }
0x5c: {  	_ =	shalt  }
0x5d: {  	_ =	shalt  }
0x5e: {  	_ =	shalt  }
0x5f: {  	_ =	shalt  }
0x60: {  	_ =	shalt  }
0x61: {  	_ =	shalt  }
0x62: {  	_ =	shalt  }
0x63: {  	_ =	shalt  }
0x64: {  	_ =	shalt  }
0x65: {  	_ =	shalt  }
0x66: {  	_ =	shalt  }
0x67: {  	_ =	shalt  }
0x68: {  	_ =	shalt  }
0x69: {  	_ =	shalt  }
0x6a: {  	_ =	shalt  }
0x6b: {  	_ =	shalt  }
0x6c: {  	_ =	shalt  }
0x6d: {  	_ =	shalt  }
0x6e: {  	_ =	shalt  }
0x6f: {  	_ =	shalt  }
0x70: {  	_ =	shalt  }
0x71: {  	_ =	shalt  }
0x72: {  	_ =	shalt  }
0x73: {  	_ =	shalt  }
0x74: {  	_ =	shalt  }
0x75: {  	_ =	shalt  }
0x76: {  	_ =	shalt  }
0x77: {  	_ =	shalt  }
0x78: {  	_ =	shalt  }
0x79: {  	_ =	shalt  }
0x7a: {  	_ =	shalt  }
0x7b: {  	_ =	shalt  }
0x7c: {  	_ =	shalt  }
0x7d: {  	_ =	shalt  }
0x7e: {  	_ =	shalt  }
0x7f: {  	_ =	shalt  }
0x80: {  	_ =	shalt  }
0x81: {  	_ =	shalt  }
0x82: {  	_ =	shalt  }
0x83: {  	_ =	shalt  }
0x84: {  	_ =	shalt  }
0x85: {  	_ =	shalt  }
0x86: {  	_ =	shalt  }
0x87: {  	_ =	shalt  }
.Lfunc_end0:
.L_simem_size_0:
called_computation_lowered:
.L_overlay_start_0:
0x88: {  	s2 =	sld [smem:$0x3FD9]  }
0x89: {  	s3 =	sld [smem:$0x3FFE];
	_ =	sdelay $0x1  }
0x8a: {  	s1 =	srdreg.scid  }
0x8b: {  	s0 =	sand.u32 $0x1, s1  }
0x8c: {  	s17 =	sshll.u32 s0, $0xA;
	s2 =	sadd.s32 s3, s2  }
0x8d: {  	s2 =	sadd.s32 s2, s17  }
0x8e: {  	[smem:$0x3FB0] =	sst s2  }
0x8f: {  	_ = 	snop  }
0x90: {  	s2 =	sld [smem:$0x3FC8];
	(tm) =	ssettm $0x1  }
0x91: {  	s18 =	sld [smem:$0x3FFB];
	_ =	sdelay $0x3  }
0x92: {  	_ =	strace s18  }
0x93: {  	s3 =	sld [smem:$0x3FFC];
	_ =	sdelay $0x3  }
0x94: {  	_ =	strace s3  }
0x95: {  	s3 =	sld [smem:$0x3FFD];
	_ =	sdelay $0x3  }
0x96: {  	_ =	strace s3  }
0x97: {  	_ =	strace $0x8FFFFFFF  }
0x98: {  	s19 =	sld [smem:$0x3FDB];
	_ =	sdelay $0x1  }
0x99: {  	s4 =	simm.s32 $_scs_section_size  }
0x9a: {  	s5 =	simm.s32 $_size__tile_overlayer_lowered;
	s6 =	simm.s32 $_tile_overlayer_lowered  }
0x9b: {  	s22 =	simm.s32 $0x1BFF;
	s21 =	sshll.u32 s6, $0x1;
	s3 =	sadd.s32 s4, s19  }
0x9c: {  	s7 =	simm.s32 $0x0;
	s20 =	sshll.u32 s5, $0x1;
	s5 =	sadd.s32 s21, s3  }
0x9d: {  	[timem:s7], [sflag:s22] =	dma.local [hbm:s5], s20  }
0x9e: {  	_ =	swait.ge [sflag:s22], s20  }
0x9f: {  	s4 =	ssub.s32 $0x0, s20;
	[sflag:s22] =	ssyncset.done $0x0  }
0xa0: {  	[sflag:s22] =	ssyncadd.s32 s4;
	_ =	sdelay $0x1  }
0xa1: {  	s23 =	simm.s32 $0x1B8B  }
0xa2: {  	_ =	swait.ge [sflag:s23], $0x1  }
0xa3: {  	[sflag:s23] =	ssyncset.done $0x0  }
0xa4: {  	s25 =	simm.s32 $0x1B8E;
	s24 =	sld [smem:$0x3FFE];
	[sflag:s23] =	ssyncadd.s32 $0xFFFFFFFF  }
0xa5: {  	s26 =	simm.s32 $execute0_lowered;
	[smem:$0x3FD2] =	sst s25  }
0xa6: {  	s5 =	sshll.u32 s26, $0x1;
	_ =	strace $0x80000046;
	[dreg:$0x1] =	wrdreg $0xFFFFFFFF  }
0xa7: {  	s28 =	simm.s32 $_size_execute0_lowered;
	s3 =	sadd.s32 s3, s5;
	[dreg:$0x0] =	wrdreg $0x0  }
0xa8: {  	s5 =	sshll.u32 s28, $0x1;
	[dreg:$0x2] =	wrdreg s3  }
0xa9: {  	[dreg:$0x3] =	wrdreg s5  }
0xaa: {  	[dreg:$0x4] =	wrdreg $0xC0  }
0xab: {  	_ =	task [dreg:s7], $0x5FFFF  }
0xac: {  	[dreg:$0x1] =	wrdreg $0xFFFFFFFF  }
0xad: {  	[dreg:$0x0] =	wrdreg $0x60  }
0xae: {  	[dreg:$0x2] =	wrdreg s2  }
0xaf: {  	[dreg:$0x3] =	wrdreg s24  }
0xb0: {  	[dreg:$0x4] =	wrdreg $0x10000  }
0xb1: {  	[dreg:$0x5] =	wrdreg $0x9  }
0xb2: {  	_ =	task.clear_ibuf [dreg:s7], $0x6FFFF;
	_ =	strace $0x90000046  }
0xb3: {  	s29 =	simm.s32 $0x9;
	_ =	strace $0x80000048  }
0xb4: {  	_ =	swait.ge [sflag:s29], $0x1  }
0xb5: {  	[sflag:s29] =	ssyncadd.s32 $0xFFFFFFFF  }
0xb6: {  	_ =	strace $0x90000048  }
0xb7: {  	_ =	sfence  }
0xb8: {  	s30 =	sld [smem:$0x0];
	_ =	sdelay $0x2  }
0xb9: {  	s31 =	sshll.u32 s1, $0xD;
	s1 =	sshrl.u32 s1, $0x2  }
0xba: {  	s3 =	sand.u32 $0x4000, s31;
	s1 =	sadd.s32 s1, s30  }
0xbb: {  	s0 =	sor.u32 s3, s0;
	s1 =	sshll.u32 s1, $0x11  }
0xbc: {  	s0 =	sor.u32 s1, s0  }
0xbd: {  	s0 =	sadd.s32 $0x8F2B, s0  }
0xbe: {  	[sflag:s0] =	ssyncadd.remote.s32 $0x1  }
0xbf: {  	_ =	sfence.sel $0xFFFF  }
0xc0: {  	[dreg:$0x0] =	wrdreg $0xFFFFFFFF;
	(pc) =	sbr.abs _section_cstart, $3  }
0xc1: {  	[dreg:$0x1] =	wrdreg $0xFFFFFFFF  }
0xc2: {  	_ =	task.clear_ibuf [dreg:s7], $0x2FFFF;
	_ =	strace $0x9FFFFFFF  }
0xc3: {  	(tm) =	ssettm $0x7FFFFFFF  }
tec
execute0_lowered:
.L_overlay_start_1:
0x0: {  	(tag) =	ssettag $0x1  }
0x1: {  	s4 =	rddreg [dreg:$0x0]  }
0x2: {  	s5 =	rddreg [dreg:$0x1]  }
0x3: {  	s1 =	rddreg [dreg:$0x2]  }
0x4: {  	s0 =	rddreg [dreg:$0x3]  }
0x5: {  	s2 =	simm.s32 $0x0;
	s3 =	srdreg.scid;
	s17 =	simm.s32 $0x100  }
0x6: {  	s18 =	simm.s32 $0x1;
	s19 =	simm.s32 $0x200;
	s20 =	simm.s32 $0x800  }
0x7: {  	s21 =	simm.s32 $0x400;
	s22 =	simm.s32 $0x600;
	s23 =	simm.s32 $0x20  }
0x8: {  	s24 =	simm.s32 $0x10;
	s25 =	simm.s32 $0x0;
	[smem:$0x7FF] =	sst s2  }
0x9: {  	s6 =	sand.u32 $0x1, s3;
	s3 =	stileid.u32;
	_ =	strace $0x80000047  }
0xa: {  	s7 =	sshll.u32 s6, $0x4;
	s8 =	sshll.u32 s3, $0x8;
	s9 =	sshll.u32 s6, $0x7  }
0xb: {  	s28 =	ssub.s32 $0x2, s6;
	s31 =	sshll.u32 s3, $0xE;
	s16 =	sshll.u32 s3, $0xC  }
0xc: {  	s14 =	sadd.s32 s7, s5;
	s29 =	sor.u32 s9, s8;
	s30 =	sshrl.u32 s28, $0x1  }
0xd: {  	s6 =	sadd.s32 s31, s1;
	s4 =	sadd.s32 s4, s29;
	s15 =	ssub.s32 s28, s30  }
0xe: {  	s7 =	sadd.s32 $0x800, s6;
	s8 =	sadd.s32 $0x1000, s6;
	s9 =	sadd.s32 $0x1800, s6  }
0xf: {  	s10 =	sadd.s32 $0x2000, s6;
	s11 =	sadd.s32 $0x2800, s6;
	s12 =	sadd.s32 $0x3000, s6  }
0x10: {  	s13 =	sadd.s32 $0x3800, s6;
	s14 =	sadd.s32 s16, s14;
	s16 =	simm.s32 $0x80  }
0x11: {  	v0 =	vimm.f32 $1.000000000e+00;
	v1 =	vimm.f32 $0.0e+00;
	s5 =	sadd.s32 $0x10, s4;
	s14 =	sadd.s32 $0x2E00, s14;
	s15 =	smax.u32 s15, $0x1  }
.LBB2_1:
0x12: {  	[tilespmem:s2], [sflag:$0x1] =	stream.strided.gather [hbm4b:s4+s16], $0x200, s17, s16, $0x38;
	[tilespmem:$0x5000] =	vst v63  }
0x13: {  	_ =	swait.ge [sflag:s18], $0x200  }
0x14: {  	[sflag:s18] =	ssyncset.done $0x0  }
0x15: {  	[sflag:s18] =	ssyncadd.s32 $0xFFFFFE00  }
0x16: {  	[tilespmem:s19], [sflag:$0x1] =	stream.strided.gather [hbm4b:s5+s16], $0x200, s17, s16, $0x38;
	[tilespmem:$0x5000] =	vst v63  }
0x17: {  	_ =	swait.ge [sflag:s18], $0x200  }
0x18: {  	[sflag:s18] =	ssyncset.done $0x0  }
0x19: {  	s26 =	simm.s32 $0x0;
	[sflag:s18] =	ssyncadd.s32 $0xFFFFFE00  }
0x1a: {  	v2 =	vld [tilespmem:s26+$0x200]  }
0x1b: {  	s28 =	simm.s32 $0x40;
	[tilespmem:s26+$0x600] =	vst v0;
	v3 =	vld [tilespmem:s26+$0x0]  }
.LBB2_2:
0x1c: {  	p0 =	sne.s32 s28, $0x7C0  }
.Ltmp0:
0x1d: {  	_ = 	snop;
	(pc) =	sbr.rel @p0 .LBB2_2-.Ltmp0, $4  }
0x1e: {  	_ = 	snop  }
0x1f: {  	s29 =	sshra.s32 s28, $0x2;
	s28 =	sadd.s32 $0x40, s28;
	v4 =	vshll.u32 v2, $0x9  }
0x20: {  	v2 =	vld [tilespmem:s29+$0x200];
	[tilespmem:s29+$0x600] =	vst v0;
	v4 =	vadd.s32 v3, v4  }
0x21: {  	v3 =	vld [tilespmem:s29+$0x0];
	[tilespmem:s26+$0x400] =	vst v4;
	s26 =	smov.u32 s29  }
0x22: {  	_ =	sdelay $0x2  }
0x23: {  	v2 =	vshll.u32 v2, $0x9  }
0x24: {  	v2 =	vadd.s32 v3, v2  }
0x25: {  	s28 =	simm.s32 $0x0;
	[tilespmem:s26+$0x400] =	vst v2;
	s26 =	simm.s32 $0x40  }
.LBB2_4:
0x26: {  	p0 =	sne.s32 s26, $0x1FC0;
	[tilespmem:s28+$0x800] =	vst v1;
	s28 =	smov.u32 s26;
	s26 =	sadd.s32 $0x40, s26  }
.Ltmp1:
0x27: {  	(pc) =	sbr.rel @p0 .LBB2_4-.Ltmp1, $2  }
0x28: {  	_ =	sdelay $0x2  }
0x29: {  	s28 =	sshra.s32 s28, $0x2  }
0x2a: {  	[tilespmem:s28+$0x800] =	vst v1  }
0x2b: {  	[spmem:s6] =	stream.linear.scatter [tilespmem:s20], [sflag:$0x1], $0x800, $0x38;
	[tilespmem:$0x5000] =	vst v63  }
0x2c: {  	_ =	swait.ge [sflag:s18], $0x800  }
0x2d: {  	[sflag:s18] =	ssyncset.done $0x0  }
0x2e: {  	[sflag:s18] =	ssyncadd.s32 $0xFFFFF800  }
0x2f: {  	[spmem:s7] =	stream.linear.scatter [tilespmem:s20], [sflag:$0x1], $0x800, $0x38;
	[tilespmem:$0x5000] =	vst v63  }
0x30: {  	_ =	swait.ge [sflag:s18], $0x800  }
0x31: {  	[sflag:s18] =	ssyncset.done $0x0  }
0x32: {  	[sflag:s18] =	ssyncadd.s32 $0xFFFFF800  }
0x33: {  	[spmem:s8] =	stream.linear.scatter [tilespmem:s20], [sflag:$0x1], $0x800, $0x38;
	[tilespmem:$0x5000] =	vst v63  }
0x34: {  	_ =	swait.ge [sflag:s18], $0x800  }
0x35: {  	[sflag:s18] =	ssyncset.done $0x0  }
0x36: {  	[sflag:s18] =	ssyncadd.s32 $0xFFFFF800  }
0x37: {  	[spmem:s9] =	stream.linear.scatter [tilespmem:s20], [sflag:$0x1], $0x800, $0x38;
	[tilespmem:$0x5000] =	vst v63  }
0x38: {  	_ =	swait.ge [sflag:s18], $0x800  }
0x39: {  	[sflag:s18] =	ssyncset.done $0x0  }
0x3a: {  	[sflag:s18] =	ssyncadd.s32 $0xFFFFF800  }
0x3b: {  	[spmem:s10] =	stream.linear.scatter [tilespmem:s20], [sflag:$0x1], $0x800, $0x38;
	[tilespmem:$0x5000] =	vst v63  }
0x3c: {  	_ =	swait.ge [sflag:s18], $0x800  }
0x3d: {  	[sflag:s18] =	ssyncset.done $0x0  }
0x3e: {  	[sflag:s18] =	ssyncadd.s32 $0xFFFFF800  }
0x3f: {  	[spmem:s11] =	stream.linear.scatter [tilespmem:s20], [sflag:$0x1], $0x800, $0x38;
	[tilespmem:$0x5000] =	vst v63  }
0x40: {  	_ =	swait.ge [sflag:s18], $0x800  }
0x41: {  	[sflag:s18] =	ssyncset.done $0x0  }
0x42: {  	[sflag:s18] =	ssyncadd.s32 $0xFFFFF800  }
0x43: {  	[spmem:s12] =	stream.linear.scatter [tilespmem:s20], [sflag:$0x1], $0x800, $0x38;
	[tilespmem:$0x5000] =	vst v63  }
0x44: {  	_ =	swait.ge [sflag:s18], $0x800  }
0x45: {  	[sflag:s18] =	ssyncset.done $0x0  }
0x46: {  	[sflag:s18] =	ssyncadd.s32 $0xFFFFF800  }
0x47: {  	[spmem:s13] =	stream.linear.scatter [tilespmem:s20], [sflag:$0x1], $0x800, $0x38;
	[tilespmem:$0x5000] =	vst v63  }
0x48: {  	_ =	swait.ge [sflag:s18], $0x800  }
0x49: {  	[sflag:s18] =	ssyncset.done $0x0  }
0x4a: {  	[sflag:s18] =	ssyncadd.s32 $0xFFFFF800  }
0x4b: {  	[bflag:$0x0] =	sbarrier.arrive $0xFFFF  }
0x4c: {  	[spmem:s1] =	stream.indirect.scatter.add.f32 [tilespmem:s22], [sflag:$0x1], $0x1, s21, s19, $0xb8;
	[tilespmem:$0x5000] =	vst v63  }
0x4d: {  	_ =	swait.ge [sflag:s18], $0x200  }
0x4e: {  	s26 =	sshll.u32 s3, $0x6;
	s25 =	sadd.s32 $0x1, s25;
	[sflag:s18] =	ssyncset.done $0x0  }
0x4f: {  	s31 =	sshrl.u32 s6, $0x3;
	p0 =	sne.s32 s25, s15;
	[sflag:s18] =	ssyncadd.s32 $0xFFFFFE00  }
.Ltmp2:
0x50: {  	s26 =	sor.u32 $0x1C01, s26;
	[bflag:$0x0] =	sbarrier.arrive $0xFFFF;
	(pc) =	sbr.rel @p0 .LBB2_1-.Ltmp2, $4  }
0x51: {  	[hbm:s14@s23], [sflag:s26] =	dma.strided [spmem:s31@s24], $0x800, s18, $0x10   }
0x52: {  	_ =	swait.ge [sflag:s18], $0x800  }
0x53: {  	[sflag:s18] =	ssyncset.done $0x0  }
0x54: {  	[sflag:s18] =	ssyncadd.s32 $0xFFFFF800  }
0x55: {  	_ =	sfence.sel $0x180000  }
0x56: {  	[bflag:$0x0] =	sbarrier.arrive $0xFFFF  }
0x57: {  	p0 =	sne.s32 s3, $0x0;
	_ =	strace $0x90000047  }
0x58: {  	s0 =	sadd.s32 @!p0 $0x100000, s0;
	[bflag:$0x2] =	sbarrier.arrive $0xFFFF  }
0x59: {  	[sflag:s0] =	ssyncadd.tile.s32 @!p0 $0x1;
	_ =	shalt  }
.Lfunc_end2:
_tile_overlayer_lowered:
.L_overlay_start_2:
0x5a: {  	(tag) =	ssettag $0x2  }
0x5b: {  	s0 =	rddreg [dreg:$0x0];
	s2 =	stileid.u32  }
0x5c: {  	s1 =	rddreg [dreg:$0x1];
	p0 =	sne.s32 s2, $0x0  }
0x5d: {  	s3 =	rddreg [dreg:$0x2];
	[bflag:$0x3] =	sbarrier.arrive $0xFFFF;
	s2 =	simm.s32 @!p0 $0x1C01  }
0x5e: {  	[timem:s3], [sflag:s2] =	dma.local @!p0 [hbm:s0], s1  }
0x5f: {  	s0 =	simm.s32 @!p0 $0x1  }
0x60: {  	_ =	swait.ge @!p0 [sflag:s0], s1  }
0x61: {  	s1 =	ssub.s32 @!p0 $0x0, s1;
	[sflag:s0] =	ssyncset.done @!p0 $0x0  }
0x62: {  	[sflag:s0] =	ssyncadd.s32 @!p0 s1  }
0x63: {  	[bflag:$0x3] =	sbarrier.arrive $0xFFFF  }
0x64: {  	_ =	shalt  }

</sc_bundles>
